<compile_context>
chip_gen: v7x
topology: tpu7x:2x2x1
jax: 0.10.2.dev20260603
libtpu: 0.0.44.dev20260713+nightly
codegen_flags: <defaults>
</compile_context>

<pallas_src>
import functools

import jax
import jax.numpy as jnp
from jax.experimental import pallas as pl
from jax.experimental.pallas import tpu as pltpu

_B, _N, _C = 4, 20000, 3
_PRE = 2048
_POST = 500
_POST_PAD = 512
_IOU_TH = 0.7
_SCORE_TH = 0.1
_STRIP = 256


def _nms_body(a_ref, bt_ref, sel_ref, small_ref, s_scr):
    A = a_ref[0]
    Bt = bt_ref[0]

    f32 = jnp.float32

    x1c = A[:, 0:1] - A[:, 3:4] * 0.5
    x2c = A[:, 0:1] + A[:, 3:4] * 0.5
    y1c = A[:, 1:2] - A[:, 4:5] * 0.5
    y2c = A[:, 1:2] + A[:, 4:5] * 0.5
    areac = (x2c - x1c) * (y2c - y1c)

    x1r = Bt[0:1, :] - Bt[3:4, :] * 0.5
    x2r = Bt[0:1, :] + Bt[3:4, :] * 0.5
    y1r = Bt[1:2, :] - Bt[4:5, :] * 0.5
    y2r = Bt[1:2, :] + Bt[4:5, :] * 0.5
    arear = (x2r - x1r) * (y2r - y1r)

    ts_row = Bt[7:8, :]
    valid = ts_row > -jnp.inf

    s_scr[...] = jnp.zeros((_PRE, _PRE), jnp.bfloat16)
    for k in range(_PRE // _STRIP):
        r0 = k * _STRIP
        w = _PRE - r0
        xc1 = x1c[r0:r0 + _STRIP]
        xc2 = x2c[r0:r0 + _STRIP]
        yc1 = y1c[r0:r0 + _STRIP]
        yc2 = y2c[r0:r0 + _STRIP]
        ac = areac[r0:r0 + _STRIP]
        iw = jnp.maximum(
            jnp.minimum(xc2, x2r[:, r0:]) - jnp.maximum(xc1, x1r[:, r0:]),
            0.0)
        ih = jnp.maximum(
            jnp.minimum(yc2, y2r[:, r0:]) - jnp.maximum(yc1, y1r[:, r0:]),
            0.0)
        inter = iw * ih
        iou = inter / (ac + arear[:, r0:] - inter + 1e-6)
        ii = jax.lax.broadcasted_iota(jnp.int32, (_STRIP, w), 0) + r0
        jj = jax.lax.broadcasted_iota(jnp.int32, (_STRIP, w), 1) + r0
        s_scr[r0:r0 + _STRIP, r0:] = jnp.where(
            (iou > _IOU_TH) & (jj > ii), 1.0, 0.0).astype(jnp.bfloat16)

    S = s_scr[...]

    bf16 = jnp.bfloat16
    dot01 = functools.partial(jnp.dot, preferred_element_type=f32)

    valid_f = valid.astype(f32)

    def cond(st):
        _, _, undecided = st
        return undecided > 0.0

    def step(st):
        kept, dead, _ = st
        alive = valid_f * (1.0 - dead)
        threat = dot01(alive.astype(bf16), S)
        kept_n = jnp.where(threat < 0.5, valid_f, 0.0)
        dead_n = jnp.where(
            dot01(kept_n.astype(bf16), S) > 0.5, 1.0, 0.0)
        und = jnp.sum(valid_f * (1.0 - kept_n) * (1.0 - dead_n))
        return kept_n, dead_n, und

    zeros_f = jnp.zeros((1, _PRE), dtype=f32)
    und0 = jnp.sum(valid_f)
    kept_f, _, _ = jax.lax.while_loop(
        cond, step, (zeros_f, zeros_f, und0))

    rank = kept_f
    d = 1
    while d < _PRE:
        rank = rank + jnp.concatenate(
            [jnp.zeros((1, d), f32), rank[:, :_PRE - d]], axis=1)
        d *= 2
    slot = rank - 1.0

    rows = jax.lax.broadcasted_iota(jnp.int32, (_POST_PAD, 1), 0)
    slot_i = slot.astype(jnp.int32)
    O = jnp.where((rows == slot_i) & (kept_f > 0.5), 1.0, 0.0).astype(f32)

    sel = jnp.dot(O, A[:, 8:18], preferred_element_type=f32,
                  precision=jax.lax.Precision.HIGHEST)
    sel_ref[0] = jnp.concatenate(
        [sel, jnp.zeros((_POST_PAD, 6), f32)], axis=1)

    kcnt = jnp.sum(kept_f).astype(jnp.int32)
    maskc = jnp.where(rows < kcnt, 1.0, 0.0).astype(f32)
    cmax = jnp.max(sel[:, 7:10], axis=1, keepdims=True)
    small = jnp.concatenate(
        [maskc, cmax * maskc, jnp.zeros((_POST_PAD, 6), f32)], axis=1)
    small_ref[0] = small


def kernel(batch_box_preds_tea, batch_box_preds_stu, batch_cls_preds_stu,
           cls_preds):
    f32 = jnp.float32
    dense_cls = cls_preds.reshape(_B, -1, _C)

    scores = jnp.max(batch_cls_preds_stu, axis=2)
    masked = jnp.where(scores > _SCORE_TH, scores, -jnp.inf)
    top_scores, order = jax.lax.top_k(masked, _PRE)

    X = jnp.concatenate(
        [batch_box_preds_stu, masked[:, :, None],
         batch_box_preds_tea, dense_cls], axis=2)
    cand = jnp.take_along_axis(X, order[:, :, None], axis=1)
    bt_in = jnp.swapaxes(cand[:, :, 0:8], 1, 2)

    sel, small = pl.pallas_call(
        _nms_body,
        grid=(_B,),
        in_specs=[
            pl.BlockSpec((1, _PRE, 18), lambda b: (b, 0, 0)),
            pl.BlockSpec((1, 8, _PRE), lambda b: (b, 0, 0)),
        ],
        out_specs=[
            pl.BlockSpec((1, _POST_PAD, 16), lambda b: (b, 0, 0)),
            pl.BlockSpec((1, _POST_PAD, 8), lambda b: (b, 0, 0)),
        ],
        out_shape=[
            jax.ShapeDtypeStruct((_B, _POST_PAD, 16), f32),
            jax.ShapeDtypeStruct((_B, _POST_PAD, 8), f32),
        ],
        scratch_shapes=[pltpu.VMEM((_PRE, _PRE), jnp.bfloat16)],
    )(cand, bt_in)

    rois = sel[:, :_POST, 0:7]
    cls_sel = sel[:, :_POST, 7:10]
    mask = small[:, :_POST, 0]
    kd = small[:, :_POST, 1].reshape(-1, 1)
    return rois, cls_sel, mask, kd

# --- scband reference (transcript-rebuilt; emitter-appended) ---
"""Pipeline reference for scband-kdpoint-trans-12713103196215 (READ-ONLY COPY).

The authoritative reference and input builder live on the scoring server;
editing this copy changes nothing except your own understanding.
"""

import jax, jax.numpy as jnp
import numpy as np

B, N, C = 4, 20000, 3
NMS_PRE, NMS_POST = 2048, 500
NMS_THRESH = 0.7
SCORE_THRESH_MINOR = 0.1


def setup_inputs(seed: int = 0) -> dict:
    key = jax.random.key(seed)
    k1, k2, k3, k4 = jax.random.split(key, 4)

    def make_boxes(k):
        u = jax.random.uniform(k, (B, N, 7))
        ctr = u[..., 0:3] * jnp.array([70.0, 80.0, 4.0]) + jnp.array([0.0, -40.0, -3.0])
        dims = u[..., 3:6] * 3.0 + 1.0
        yaw = u[..., 6:7] * np.pi
        return jnp.concatenate([ctr, dims, yaw], axis=-1).astype(jnp.float32)

    return {
        "batch_box_preds_tea": make_boxes(k1),
        "batch_box_preds_stu": make_boxes(k2),
        "batch_cls_preds_stu": jax.random.uniform(k3, (B, N, C), dtype=jnp.float32),
        "cls_preds": jax.random.uniform(k4, (B, N, C), dtype=jnp.float32),
    }


def _nms_select(boxes, scores):
    # class-agnostic NMS (minor): score threshold -> top-k prefilter -> greedy BEV IoU NMS -> top POST
    valid = scores > SCORE_THRESH_MINOR
    masked = jnp.where(valid, scores, -jnp.inf)
    top_scores, order = jax.lax.top_k(masked, NMS_PRE)
    b = boxes[order]
    x1 = b[:, 0] - b[:, 3] * 0.5
    x2 = b[:, 0] + b[:, 3] * 0.5
    y1 = b[:, 1] - b[:, 4] * 0.5
    y2 = b[:, 1] + b[:, 4] * 0.5
    area = (x2 - x1) * (y2 - y1)
    ix1 = jnp.maximum(x1[:, None], x1[None, :])
    ix2 = jnp.minimum(x2[:, None], x2[None, :])
    iy1 = jnp.maximum(y1[:, None], y1[None, :])
    iy2 = jnp.minimum(y2[:, None], y2[None, :])
    iw = jnp.clip(ix2 - ix1, 0.0)
    ih = jnp.clip(iy2 - iy1, 0.0)
    inter = iw * ih
    iou = inter / (area[:, None] + area[None, :] - inter + 1e-6)
    keep0 = jnp.isfinite(top_scores)
    idx = jnp.arange(NMS_PRE)

    def body(i, keep):
        sup = keep[i] & (iou[i] > NMS_THRESH) & (idx > i)
        return keep & (~sup)

    keep = jax.lax.fori_loop(0, NMS_PRE, body, keep0)
    sel_scores = jnp.where(keep, top_scores, -jnp.inf)
    s2, pos = jax.lax.top_k(sel_scores, NMS_POST)
    sel_idx = order[pos]
    sel_valid = jnp.isfinite(s2)
    sel_idx = jnp.where(sel_valid, sel_idx, 0)
    return sel_idx, sel_valid


def reference(batch_box_preds_tea, batch_box_preds_stu, batch_cls_preds_stu, cls_preds):
    dense_cls = cls_preds.reshape(B, -1, C)
    rois_l, cls_l, mask_l = [], [], []
    for b in range(B):
        scores = jnp.max(batch_cls_preds_stu[b], axis=1)
        sel_idx, sel_valid = _nms_select(batch_box_preds_stu[b], scores)
        rois_l.append(jnp.where(sel_valid[:, None], batch_box_preds_tea[b][sel_idx], 0.0))
        cls_l.append(jnp.where(sel_valid[:, None], dense_cls[b][sel_idx], 0.0))
        mask_l.append(sel_valid.astype(jnp.float32))
    rois_reverse = jnp.stack(rois_l)
    cls_select_reverse = jnp.stack(cls_l)
    select_mask = jnp.stack(mask_l)
    cls_flat = cls_select_reverse.reshape(-1, C)
    cls_max = jnp.max(cls_flat, axis=1, keepdims=True)
    cls_preds_kd_stu = cls_max * select_mask.reshape(-1, 1)
    return rois_reverse, cls_select_reverse, select_mask, cls_preds_kd_stu

if __name__ == "__main__":
    import jax
    _d = setup_inputs()
    print(jax.jit(kernel)(*tuple(_d.values())))

</pallas_src>

<mosaic_0001>
module attributes {stable_mosaic.version = 14 : i64} {
  func.func @_nms_body(%arg0: i32, %arg1: memref<1x2048x18xf32, #tpu.memory_space<vmem>>, %arg2: memref<1x8x2048xf32, #tpu.memory_space<vmem>>, %arg3: memref<1x512x16xf32, #tpu.memory_space<vmem>>, %arg4: memref<1x512x8xf32, #tpu.memory_space<vmem>>, %arg5: memref<2048x2048xbf16, #tpu.memory_space<vmem>>) attributes {dimension_semantics = [#tpu.dimension_semantics<arbitrary>], iteration_bounds = array<i64: 4>, scalar_prefetch = 0 : i64, scratch_operands = 1 : i64, tpu.core_type = #tpu.core_type<tc>, window_params = [{transform_indices = @transform_0, window_bounds = array<i64: 1, 2048, 18>}, {transform_indices = @transform_1, window_bounds = array<i64: 1, 8, 2048>}, {transform_indices = @transform_2, window_bounds = array<i64: 1, 512, 16>}, {transform_indices = @transform_3, window_bounds = array<i64: 1, 512, 8>}]} {
    %get3A = arith.constant 0 : index
    %get3A_0 = arith.constant 0 : index
    %get3A_1 = arith.constant 0 : index
    %get3A_2 = vector.load %arg1[%get3A, %get3A_0, %get3A_1] : memref<1x2048x18xf32, #tpu.memory_space<vmem>>, vector<1x2048x18xf32>
    %get3A_3 = vector.shape_cast %get3A_2 : vector<1x2048x18xf32> to vector<2048x18xf32>
    %get3A_4 = arith.constant 0 : index
    %get3A_5 = arith.constant 0 : index
    %get3A_6 = arith.constant 0 : index
    %get3A_7 = vector.load %arg2[%get3A_4, %get3A_5, %get3A_6] : memref<1x8x2048xf32, #tpu.memory_space<vmem>>, vector<1x8x2048xf32>
    %get3A_8 = vector.shape_cast %get3A_7 : vector<1x8x2048xf32> to vector<8x2048xf32>
    %slice3A = vector.extract_strided_slice %get3A_3 {offsets = [0, 0], sizes = [2048, 1], strides = [1, 1]} : vector<2048x18xf32> to vector<2048x1xf32>
    %slice3A_9 = vector.extract_strided_slice %get3A_3 {offsets = [0, 3], sizes = [2048, 1], strides = [1, 1]} : vector<2048x18xf32> to vector<2048x1xf32>
    %mul3A = arith.constant 5.000000e-01 : f32
    %mul3A_10 = vector.broadcast %mul3A : f32 to vector<2048x1xf32>
    %mul3A_11 = arith.mulf %slice3A_9, %mul3A_10 : vector<2048x1xf32>
    %sub3A = arith.subf %slice3A, %mul3A_11 : vector<2048x1xf32>
    %slice3A_12 = vector.extract_strided_slice %get3A_3 {offsets = [0, 0], sizes = [2048, 1], strides = [1, 1]} : vector<2048x18xf32> to vector<2048x1xf32>
    %slice3A_13 = vector.extract_strided_slice %get3A_3 {offsets = [0, 3], sizes = [2048, 1], strides = [1, 1]} : vector<2048x18xf32> to vector<2048x1xf32>
    %mul3A_14 = arith.constant 5.000000e-01 : f32
    %mul3A_15 = vector.broadcast %mul3A_14 : f32 to vector<2048x1xf32>
    %mul3A_16 = arith.mulf %slice3A_13, %mul3A_15 : vector<2048x1xf32>
    %add3A = arith.addf %slice3A_12, %mul3A_16 : vector<2048x1xf32>
    %slice3A_17 = vector.extract_strided_slice %get3A_3 {offsets = [0, 1], sizes = [2048, 1], strides = [1, 1]} : vector<2048x18xf32> to vector<2048x1xf32>
    %slice3A_18 = vector.extract_strided_slice %get3A_3 {offsets = [0, 4], sizes = [2048, 1], strides = [1, 1]} : vector<2048x18xf32> to vector<2048x1xf32>
    %mul3A_19 = arith.constant 5.000000e-01 : f32
    %mul3A_20 = vector.broadcast %mul3A_19 : f32 to vector<2048x1xf32>
    %mul3A_21 = arith.mulf %slice3A_18, %mul3A_20 : vector<2048x1xf32>
    %sub3A_22 = arith.subf %slice3A_17, %mul3A_21 : vector<2048x1xf32>
    %slice3A_23 = vector.extract_strided_slice %get3A_3 {offsets = [0, 1], sizes = [2048, 1], strides = [1, 1]} : vector<2048x18xf32> to vector<2048x1xf32>
    %slice3A_24 = vector.extract_strided_slice %get3A_3 {offsets = [0, 4], sizes = [2048, 1], strides = [1, 1]} : vector<2048x18xf32> to vector<2048x1xf32>
    %mul3A_25 = arith.constant 5.000000e-01 : f32
    %mul3A_26 = vector.broadcast %mul3A_25 : f32 to vector<2048x1xf32>
    %mul3A_27 = arith.mulf %slice3A_24, %mul3A_26 : vector<2048x1xf32>
    %add3A_28 = arith.addf %slice3A_23, %mul3A_27 : vector<2048x1xf32>
    %sub3A_29 = arith.subf %add3A, %sub3A : vector<2048x1xf32>
    %sub3A_30 = arith.subf %add3A_28, %sub3A_22 : vector<2048x1xf32>
    %mul3A_31 = arith.mulf %sub3A_29, %sub3A_30 : vector<2048x1xf32>
    %slice3A_32 = vector.extract_strided_slice %get3A_8 {offsets = [0, 0], sizes = [1, 2048], strides = [1, 1]} : vector<8x2048xf32> to vector<1x2048xf32>
    %slice3A_33 = vector.extract_strided_slice %get3A_8 {offsets = [3, 0], sizes = [1, 2048], strides = [1, 1]} : vector<8x2048xf32> to vector<1x2048xf32>
    %mul3A_34 = arith.constant 5.000000e-01 : f32
    %mul3A_35 = vector.broadcast %mul3A_34 : f32 to vector<1x2048xf32>
    %mul3A_36 = arith.mulf %slice3A_33, %mul3A_35 : vector<1x2048xf32>
    %sub3A_37 = arith.subf %slice3A_32, %mul3A_36 : vector<1x2048xf32>
    %slice3A_38 = vector.extract_strided_slice %get3A_8 {offsets = [0, 0], sizes = [1, 2048], strides = [1, 1]} : vector<8x2048xf32> to vector<1x2048xf32>
    %slice3A_39 = vector.extract_strided_slice %get3A_8 {offsets = [3, 0], sizes = [1, 2048], strides = [1, 1]} : vector<8x2048xf32> to vector<1x2048xf32>
    %mul3A_40 = arith.constant 5.000000e-01 : f32
    %mul3A_41 = vector.broadcast %mul3A_40 : f32 to vector<1x2048xf32>
    %mul3A_42 = arith.mulf %slice3A_39, %mul3A_41 : vector<1x2048xf32>
    %add3A_43 = arith.addf %slice3A_38, %mul3A_42 : vector<1x2048xf32>
    %slice3A_44 = vector.extract_strided_slice %get3A_8 {offsets = [1, 0], sizes = [1, 2048], strides = [1, 1]} : vector<8x2048xf32> to vector<1x2048xf32>
    %slice3A_45 = vector.extract_strided_slice %get3A_8 {offsets = [4, 0], sizes = [1, 2048], strides = [1, 1]} : vector<8x2048xf32> to vector<1x2048xf32>
    %mul3A_46 = arith.constant 5.000000e-01 : f32
    %mul3A_47 = vector.broadcast %mul3A_46 : f32 to vector<1x2048xf32>
    %mul3A_48 = arith.mulf %slice3A_45, %mul3A_47 : vector<1x2048xf32>
    %sub3A_49 = arith.subf %slice3A_44, %mul3A_48 : vector<1x2048xf32>
    %slice3A_50 = vector.extract_strided_slice %get3A_8 {offsets = [1, 0], sizes = [1, 2048], strides = [1, 1]} : vector<8x2048xf32> to vector<1x2048xf32>
    %slice3A_51 = vector.extract_strided_slice %get3A_8 {offsets = [4, 0], sizes = [1, 2048], strides = [1, 1]} : vector<8x2048xf32> to vector<1x2048xf32>
    %mul3A_52 = arith.constant 5.000000e-01 : f32
    %mul3A_53 = vector.broadcast %mul3A_52 : f32 to vector<1x2048xf32>
    %mul3A_54 = arith.mulf %slice3A_51, %mul3A_53 : vector<1x2048xf32>
    %add3A_55 = arith.addf %slice3A_50, %mul3A_54 : vector<1x2048xf32>
    %sub3A_56 = arith.subf %add3A_43, %sub3A_37 : vector<1x2048xf32>
    %sub3A_57 = arith.subf %add3A_55, %sub3A_49 : vector<1x2048xf32>
    %mul3A_58 = arith.mulf %sub3A_56, %sub3A_57 : vector<1x2048xf32>
    %slice3A_59 = vector.extract_strided_slice %get3A_8 {offsets = [7, 0], sizes = [1, 2048], strides = [1, 1]} : vector<8x2048xf32> to vector<1x2048xf32>
    %gt3A = arith.constant 0xFF800000 : f32
    %gt3A_60 = vector.broadcast %gt3A : f32 to vector<1x2048xf32>
    %gt3A_61 = arith.cmpf ogt, %slice3A_59, %gt3A_60 : vector<1x2048xf32>
    %broadcast_in_dim3A = arith.constant 0.000000e+00 : bf16
    %broadcast_in_dim3A_62 = vector.broadcast %broadcast_in_dim3A : bf16 to vector<2048x2048xbf16>
    %swap3A = arith.constant 0 : index
    %swap3A_63 = arith.constant 0 : index
    %swap3A_64 = vector.load %arg5[%swap3A, %swap3A_63] : memref<2048x2048xbf16, #tpu.memory_space<vmem>>, vector<2048x2048xbf16>
    tpu.vector_store %arg5[%swap3A, %swap3A_63], %broadcast_in_dim3A_62 {strides = array<i32>} : memref<2048x2048xbf16, #tpu.memory_space<vmem>>, vector<2048x2048xbf16>,
    %slice3A_65 = vector.extract_strided_slice %sub3A {offsets = [0, 0], sizes = [256, 1], strides = [1, 1]} : vector<2048x1xf32> to vector<256x1xf32>
    %slice3A_66 = vector.extract_strided_slice %add3A {offsets = [0, 0], sizes = [256, 1], strides = [1, 1]} : vector<2048x1xf32> to vector<256x1xf32>
    %slice3A_67 = vector.extract_strided_slice %sub3A_22 {offsets = [0, 0], sizes = [256, 1], strides = [1, 1]} : vector<2048x1xf32> to vector<256x1xf32>
    %slice3A_68 = vector.extract_strided_slice %add3A_28 {offsets = [0, 0], sizes = [256, 1], strides = [1, 1]} : vector<2048x1xf32> to vector<256x1xf32>
    %slice3A_69 = vector.extract_strided_slice %mul3A_31 {offsets = [0, 0], sizes = [256, 1], strides = [1, 1]} : vector<2048x1xf32> to vector<256x1xf32>
    %min3A = vector.broadcast %slice3A_66 : vector<256x1xf32> to vector<256x2048xf32>
    %min3A_70 = vector.broadcast %add3A_43 : vector<1x2048xf32> to vector<256x2048xf32>
    %min3A_71 = arith.minimumf %min3A, %min3A_70 : vector<256x2048xf32>
    %max3A = vector.broadcast %slice3A_65 : vector<256x1xf32> to vector<256x2048xf32>
    %max3A_72 = vector.broadcast %sub3A_37 : vector<1x2048xf32> to vector<256x2048xf32>
    %max3A_73 = arith.maximumf %max3A, %max3A_72 : vector<256x2048xf32>
    %sub3A_74 = arith.subf %min3A_71, %max3A_73 : vector<256x2048xf32>
    %max3A_75 = arith.constant 0.000000e+00 : f32
    %max3A_76 = vector.broadcast %max3A_75 : f32 to vector<256x2048xf32>
    %max3A_77 = arith.maximumf %sub3A_74, %max3A_76 : vector<256x2048xf32>
    %min3A_78 = vector.broadcast %slice3A_68 : vector<256x1xf32> to vector<256x2048xf32>
    %min3A_79 = vector.broadcast %add3A_55 : vector<1x2048xf32> to vector<256x2048xf32>
    %min3A_80 = arith.minimumf %min3A_78, %min3A_79 : vector<256x2048xf32>
    %max3A_81 = vector.broadcast %slice3A_67 : vector<256x1xf32> to vector<256x2048xf32>
    %max3A_82 = vector.broadcast %sub3A_49 : vector<1x2048xf32> to vector<256x2048xf32>
    %max3A_83 = arith.maximumf %max3A_81, %max3A_82 : vector<256x2048xf32>
    %sub3A_84 = arith.subf %min3A_80, %max3A_83 : vector<256x2048xf32>
    %max3A_85 = arith.constant 0.000000e+00 : f32
    %max3A_86 = vector.broadcast %max3A_85 : f32 to vector<256x2048xf32>
    %max3A_87 = arith.maximumf %sub3A_84, %max3A_86 : vector<256x2048xf32>
    %mul3A_88 = arith.mulf %max3A_77, %max3A_87 : vector<256x2048xf32>
    %add3A_89 = vector.broadcast %slice3A_69 : vector<256x1xf32> to vector<256x2048xf32>
    %add3A_90 = vector.broadcast %mul3A_58 : vector<1x2048xf32> to vector<256x2048xf32>
    %add3A_91 = arith.addf %add3A_89, %add3A_90 : vector<256x2048xf32>
    %sub3A_92 = arith.subf %add3A_91, %mul3A_88 : vector<256x2048xf32>
    %add3A_93 = arith.constant 9.99999997E-7 : f32
    %add3A_94 = vector.broadcast %add3A_93 : f32 to vector<256x2048xf32>
    %add3A_95 = arith.addf %sub3A_92, %add3A_94 : vector<256x2048xf32>
    %div3A = arith.divf %mul3A_88, %add3A_95 : vector<256x2048xf32>
    %iota3A = tpu.iota {dimensions = array<i32: 0>} : vector<256x2048xi32>
    %add3A_96 = arith.constant 0 : i32
    %add3A_97 = vector.broadcast %add3A_96 : i32 to vector<256x2048xi32>
    %add3A_98 = arith.addi %iota3A, %add3A_97 : vector<256x2048xi32>
    %iota3A_99 = tpu.iota {dimensions = array<i32: 1>} : vector<256x2048xi32>
    %add3A_100 = arith.constant 0 : i32
    %add3A_101 = vector.broadcast %add3A_100 : i32 to vector<256x2048xi32>
    %add3A_102 = arith.addi %iota3A_99, %add3A_101 : vector<256x2048xi32>
    %gt3A_103 = arith.constant 0.699999988 : f32
    %gt3A_104 = vector.broadcast %gt3A_103 : f32 to vector<256x2048xf32>
    %gt3A_105 = arith.cmpf ogt, %div3A, %gt3A_104 : vector<256x2048xf32>
    %gt3A_106 = arith.cmpi sgt, %add3A_102, %add3A_98 : vector<256x2048xi32>
    %and3A = arith.andi %gt3A_105, %gt3A_106 : vector<256x2048xi1>
    %jit3A = arith.constant 1.000000e+00 : f32
    %jit3A_107 = arith.constant 0.000000e+00 : f32
    %broadcast_in_dim3A_108 = vector.broadcast %jit3A : f32 to vector<256x2048xf32>
    %broadcast_in_dim3A_109 = vector.broadcast %jit3A_107 : f32 to vector<256x2048xf32>
    %select_n3A = arith.select %and3A, %broadcast_in_dim3A_108, %broadcast_in_dim3A_109 : vector<256x2048xi1>, vector<256x2048xf32>
    %convert_element_type3A = arith.truncf %select_n3A : vector<256x2048xf32> to vector<256x2048xbf16>
    %swap3A_110 = arith.constant 0 : index
    %swap3A_111 = arith.constant 0 : index
    %swap3A_112 = vector.load %arg5[%swap3A_110, %swap3A_111] : memref<2048x2048xbf16, #tpu.memory_space<vmem>>, vector<256x2048xbf16>
    tpu.vector_store %arg5[%swap3A_110, %swap3A_111], %convert_element_type3A {strides = array<i32>} : memref<2048x2048xbf16, #tpu.memory_space<vmem>>, vector<256x2048xbf16>,
    %slice3A_113 = vector.extract_strided_slice %sub3A {offsets = [256, 0], sizes = [256, 1], strides = [1, 1]} : vector<2048x1xf32> to vector<256x1xf32>
    %slice3A_114 = vector.extract_strided_slice %add3A {offsets = [256, 0], sizes = [256, 1], strides = [1, 1]} : vector<2048x1xf32> to vector<256x1xf32>
    %slice3A_115 = vector.extract_strided_slice %sub3A_22 {offsets = [256, 0], sizes = [256, 1], strides = [1, 1]} : vector<2048x1xf32> to vector<256x1xf32>
    %slice3A_116 = vector.extract_strided_slice %add3A_28 {offsets = [256, 0], sizes = [256, 1], strides = [1, 1]} : vector<2048x1xf32> to vector<256x1xf32>
    %slice3A_117 = vector.extract_strided_slice %mul3A_31 {offsets = [256, 0], sizes = [256, 1], strides = [1, 1]} : vector<2048x1xf32> to vector<256x1xf32>
    %slice3A_118 = vector.extract_strided_slice %add3A_43 {offsets = [0, 256], sizes = [1, 1792], strides = [1, 1]} : vector<1x2048xf32> to vector<1x1792xf32>
    %min3A_119 = vector.broadcast %slice3A_114 : vector<256x1xf32> to vector<256x1792xf32>
    %min3A_120 = vector.broadcast %slice3A_118 : vector<1x1792xf32> to vector<256x1792xf32>
    %min3A_121 = arith.minimumf %min3A_119, %min3A_120 : vector<256x1792xf32>
    %slice3A_122 = vector.extract_strided_slice %sub3A_37 {offsets = [0, 256], sizes = [1, 1792], strides = [1, 1]} : vector<1x2048xf32> to vector<1x1792xf32>
    %max3A_123 = vector.broadcast %slice3A_113 : vector<256x1xf32> to vector<256x1792xf32>
    %max3A_124 = vector.broadcast %slice3A_122 : vector<1x1792xf32> to vector<256x1792xf32>
    %max3A_125 = arith.maximumf %max3A_123, %max3A_124 : vector<256x1792xf32>
    %sub3A_126 = arith.subf %min3A_121, %max3A_125 : vector<256x1792xf32>
    %max3A_127 = arith.constant 0.000000e+00 : f32
    %max3A_128 = vector.broadcast %max3A_127 : f32 to vector<256x1792xf32>
    %max3A_129 = arith.maximumf %sub3A_126, %max3A_128 : vector<256x1792xf32>
    %slice3A_130 = vector.extract_strided_slice %add3A_55 {offsets = [0, 256], sizes = [1, 1792], strides = [1, 1]} : vector<1x2048xf32> to vector<1x1792xf32>
    %min3A_131 = vector.broadcast %slice3A_116 : vector<256x1xf32> to vector<256x1792xf32>
    %min3A_132 = vector.broadcast %slice3A_130 : vector<1x1792xf32> to vector<256x1792xf32>
    %min3A_133 = arith.minimumf %min3A_131, %min3A_132 : vector<256x1792xf32>
    %slice3A_134 = vector.extract_strided_slice %sub3A_49 {offsets = [0, 256], sizes = [1, 1792], strides = [1, 1]} : vector<1x2048xf32> to vector<1x1792xf32>
    %max3A_135 = vector.broadcast %slice3A_115 : vector<256x1xf32> to vector<256x1792xf32>
    %max3A_136 = vector.broadcast %slice3A_134 : vector<1x1792xf32> to vector<256x1792xf32>
    %max3A_137 = arith.maximumf %max3A_135, %max3A_136 : vector<256x1792xf32>
    %sub3A_138 = arith.subf %min3A_133, %max3A_137 : vector<256x1792xf32>
    %max3A_139 = arith.constant 0.000000e+00 : f32
    %max3A_140 = vector.broadcast %max3A_139 : f32 to vector<256x1792xf32>
    %max3A_141 = arith.maximumf %sub3A_138, %max3A_140 : vector<256x1792xf32>
    %mul3A_142 = arith.mulf %max3A_129, %max3A_141 : vector<256x1792xf32>
    %slice3A_143 = vector.extract_strided_slice %mul3A_58 {offsets = [0, 256], sizes = [1, 1792], strides = [1, 1]} : vector<1x2048xf32> to vector<1x1792xf32>
    %add3A_144 = vector.broadcast %slice3A_117 : vector<256x1xf32> to vector<256x1792xf32>
    %add3A_145 = vector.broadcast %slice3A_143 : vector<1x1792xf32> to vector<256x1792xf32>
    %add3A_146 = arith.addf %add3A_144, %add3A_145 : vector<256x1792xf32>
    %sub3A_147 = arith.subf %add3A_146, %mul3A_142 : vector<256x1792xf32>
    %add3A_148 = arith.constant 9.99999997E-7 : f32
    %add3A_149 = vector.broadcast %add3A_148 : f32 to vector<256x1792xf32>
    %add3A_150 = arith.addf %sub3A_147, %add3A_149 : vector<256x1792xf32>
    %div3A_151 = arith.divf %mul3A_142, %add3A_150 : vector<256x1792xf32>
    %iota3A_152 = tpu.iota {dimensions = array<i32: 0>} : vector<256x1792xi32>
    %add3A_153 = arith.constant 256 : i32
    %add3A_154 = vector.broadcast %add3A_153 : i32 to vector<256x1792xi32>
    %add3A_155 = arith.addi %iota3A_152, %add3A_154 : vector<256x1792xi32>
    %iota3A_156 = tpu.iota {dimensions = array<i32: 1>} : vector<256x1792xi32>
    %add3A_157 = arith.constant 256 : i32
    %add3A_158 = vector.broadcast %add3A_157 : i32 to vector<256x1792xi32>
    %add3A_159 = arith.addi %iota3A_156, %add3A_158 : vector<256x1792xi32>
    %gt3A_160 = arith.constant 0.699999988 : f32
    %gt3A_161 = vector.broadcast %gt3A_160 : f32 to vector<256x1792xf32>
    %gt3A_162 = arith.cmpf ogt, %div3A_151, %gt3A_161 : vector<256x1792xf32>
    %gt3A_163 = arith.cmpi sgt, %add3A_159, %add3A_155 : vector<256x1792xi32>
    %and3A_164 = arith.andi %gt3A_162, %gt3A_163 : vector<256x1792xi1>
    %jit3A_165 = arith.constant 1.000000e+00 : f32
    %jit3A_166 = arith.constant 0.000000e+00 : f32
    %broadcast_in_dim3A_167 = vector.broadcast %jit3A_165 : f32 to vector<256x1792xf32>
    %broadcast_in_dim3A_168 = vector.broadcast %jit3A_166 : f32 to vector<256x1792xf32>
    %select_n3A_169 = arith.select %and3A_164, %broadcast_in_dim3A_167, %broadcast_in_dim3A_168 : vector<256x1792xi1>, vector<256x1792xf32>
    %convert_element_type3A_170 = arith.truncf %select_n3A_169 : vector<256x1792xf32> to vector<256x1792xbf16>
    %swap3A_171 = arith.constant 256 : index
    %swap3A_172 = arith.constant 256 : index
    %swap3A_173 = vector.load %arg5[%swap3A_171, %swap3A_172] : memref<2048x2048xbf16, #tpu.memory_space<vmem>>, vector<256x1792xbf16>
    tpu.vector_store %arg5[%swap3A_171, %swap3A_172], %convert_element_type3A_170 {strides = array<i32>} : memref<2048x2048xbf16, #tpu.memory_space<vmem>>, vector<256x1792xbf16>,
    %slice3A_174 = vector.extract_strided_slice %sub3A {offsets = [512, 0], sizes = [256, 1], strides = [1, 1]} : vector<2048x1xf32> to vector<256x1xf32>
    %slice3A_175 = vector.extract_strided_slice %add3A {offsets = [512, 0], sizes = [256, 1], strides = [1, 1]} : vector<2048x1xf32> to vector<256x1xf32>
    %slice3A_176 = vector.extract_strided_slice %sub3A_22 {offsets = [512, 0], sizes = [256, 1], strides = [1, 1]} : vector<2048x1xf32> to vector<256x1xf32>
    %slice3A_177 = vector.extract_strided_slice %add3A_28 {offsets = [512, 0], sizes = [256, 1], strides = [1, 1]} : vector<2048x1xf32> to vector<256x1xf32>
    %slice3A_178 = vector.extract_strided_slice %mul3A_31 {offsets = [512, 0], sizes = [256, 1], strides = [1, 1]} : vector<2048x1xf32> to vector<256x1xf32>
    %slice3A_179 = vector.extract_strided_slice %add3A_43 {offsets = [0, 512], sizes = [1, 1536], strides = [1, 1]} : vector<1x2048xf32> to vector<1x1536xf32>
    %min3A_180 = vector.broadcast %slice3A_175 : vector<256x1xf32> to vector<256x1536xf32>
    %min3A_181 = vector.broadcast %slice3A_179 : vector<1x1536xf32> to vector<256x1536xf32>
    %min3A_182 = arith.minimumf %min3A_180, %min3A_181 : vector<256x1536xf32>
    %slice3A_183 = vector.extract_strided_slice %sub3A_37 {offsets = [0, 512], sizes = [1, 1536], strides = [1, 1]} : vector<1x2048xf32> to vector<1x1536xf32>
    %max3A_184 = vector.broadcast %slice3A_174 : vector<256x1xf32> to vector<256x1536xf32>
    %max3A_185 = vector.broadcast %slice3A_183 : vector<1x1536xf32> to vector<256x1536xf32>
    %max3A_186 = arith.maximumf %max3A_184, %max3A_185 : vector<256x1536xf32>
    %sub3A_187 = arith.subf %min3A_182, %max3A_186 : vector<256x1536xf32>
    %max3A_188 = arith.constant 0.000000e+00 : f32
    %max3A_189 = vector.broadcast %max3A_188 : f32 to vector<256x1536xf32>
    %max3A_190 = arith.maximumf %sub3A_187, %max3A_189 : vector<256x1536xf32>
    %slice3A_191 = vector.extract_strided_slice %add3A_55 {offsets = [0, 512], sizes = [1, 1536], strides = [1, 1]} : vector<1x2048xf32> to vector<1x1536xf32>
    %min3A_192 = vector.broadcast %slice3A_177 : vector<256x1xf32> to vector<256x1536xf32>
    %min3A_193 = vector.broadcast %slice3A_191 : vector<1x1536xf32> to vector<256x1536xf32>
    %min3A_194 = arith.minimumf %min3A_192, %min3A_193 : vector<256x1536xf32>
    %slice3A_195 = vector.extract_strided_slice %sub3A_49 {offsets = [0, 512], sizes = [1, 1536], strides = [1, 1]} : vector<1x2048xf32> to vector<1x1536xf32>
    %max3A_196 = vector.broadcast %slice3A_176 : vector<256x1xf32> to vector<256x1536xf32>
    %max3A_197 = vector.broadcast %slice3A_195 : vector<1x1536xf32> to vector<256x1536xf32>
    %max3A_198 = arith.maximumf %max3A_196, %max3A_197 : vector<256x1536xf32>
    %sub3A_199 = arith.subf %min3A_194, %max3A_198 : vector<256x1536xf32>
    %max3A_200 = arith.constant 0.000000e+00 : f32
    %max3A_201 = vector.broadcast %max3A_200 : f32 to vector<256x1536xf32>
    %max3A_202 = arith.maximumf %sub3A_199, %max3A_201 : vector<256x1536xf32>
    %mul3A_203 = arith.mulf %max3A_190, %max3A_202 : vector<256x1536xf32>
    %slice3A_204 = vector.extract_strided_slice %mul3A_58 {offsets = [0, 512], sizes = [1, 1536], strides = [1, 1]} : vector<1x2048xf32> to vector<1x1536xf32>
    %add3A_205 = vector.broadcast %slice3A_178 : vector<256x1xf32> to vector<256x1536xf32>
    %add3A_206 = vector.broadcast %slice3A_204 : vector<1x1536xf32> to vector<256x1536xf32>
    %add3A_207 = arith.addf %add3A_205, %add3A_206 : vector<256x1536xf32>
    %sub3A_208 = arith.subf %add3A_207, %mul3A_203 : vector<256x1536xf32>
    %add3A_209 = arith.constant 9.99999997E-7 : f32
    %add3A_210 = vector.broadcast %add3A_209 : f32 to vector<256x1536xf32>
    %add3A_211 = arith.addf %sub3A_208, %add3A_210 : vector<256x1536xf32>
    %div3A_212 = arith.divf %mul3A_203, %add3A_211 : vector<256x1536xf32>
    %iota3A_213 = tpu.iota {dimensions = array<i32: 0>} : vector<256x1536xi32>
    %add3A_214 = arith.constant 512 : i32
    %add3A_215 = vector.broadcast %add3A_214 : i32 to vector<256x1536xi32>
    %add3A_216 = arith.addi %iota3A_213, %add3A_215 : vector<256x1536xi32>
    %iota3A_217 = tpu.iota {dimensions = array<i32: 1>} : vector<256x1536xi32>
    %add3A_218 = arith.constant 512 : i32
    %add3A_219 = vector.broadcast %add3A_218 : i32 to vector<256x1536xi32>
    %add3A_220 = arith.addi %iota3A_217, %add3A_219 : vector<256x1536xi32>
    %gt3A_221 = arith.constant 0.699999988 : f32
    %gt3A_222 = vector.broadcast %gt3A_221 : f32 to vector<256x1536xf32>
    %gt3A_223 = arith.cmpf ogt, %div3A_212, %gt3A_222 : vector<256x1536xf32>
    %gt3A_224 = arith.cmpi sgt, %add3A_220, %add3A_216 : vector<256x1536xi32>
    %and3A_225 = arith.andi %gt3A_223, %gt3A_224 : vector<256x1536xi1>
    %jit3A_226 = arith.constant 1.000000e+00 : f32
    %jit3A_227 = arith.constant 0.000000e+00 : f32
    %broadcast_in_dim3A_228 = vector.broadcast %jit3A_226 : f32 to vector<256x1536xf32>
    %broadcast_in_dim3A_229 = vector.broadcast %jit3A_227 : f32 to vector<256x1536xf32>
    %select_n3A_230 = arith.select %and3A_225, %broadcast_in_dim3A_228, %broadcast_in_dim3A_229 : vector<256x1536xi1>, vector<256x1536xf32>
    %convert_element_type3A_231 = arith.truncf %select_n3A_230 : vector<256x1536xf32> to vector<256x1536xbf16>
    %swap3A_232 = arith.constant 512 : index
    %swap3A_233 = arith.constant 512 : index
    %swap3A_234 = vector.load %arg5[%swap3A_232, %swap3A_233] : memref<2048x2048xbf16, #tpu.memory_space<vmem>>, vector<256x1536xbf16>
    tpu.vector_store %arg5[%swap3A_232, %swap3A_233], %convert_element_type3A_231 {strides = array<i32>} : memref<2048x2048xbf16, #tpu.memory_space<vmem>>, vector<256x1536xbf16>,
    %slice3A_235 = vector.extract_strided_slice %sub3A {offsets = [768, 0], sizes = [256, 1], strides = [1, 1]} : vector<2048x1xf32> to vector<256x1xf32>
    %slice3A_236 = vector.extract_strided_slice %add3A {offsets = [768, 0], sizes = [256, 1], strides = [1, 1]} : vector<2048x1xf32> to vector<256x1xf32>
    %slice3A_237 = vector.extract_strided_slice %sub3A_22 {offsets = [768, 0], sizes = [256, 1], strides = [1, 1]} : vector<2048x1xf32> to vector<256x1xf32>
    %slice3A_238 = vector.extract_strided_slice %add3A_28 {offsets = [768, 0], sizes = [256, 1], strides = [1, 1]} : vector<2048x1xf32> to vector<256x1xf32>
    %slice3A_239 = vector.extract_strided_slice %mul3A_31 {offsets = [768, 0], sizes = [256, 1], strides = [1, 1]} : vector<2048x1xf32> to vector<256x1xf32>
    %slice3A_240 = vector.extract_strided_slice %add3A_43 {offsets = [0, 768], sizes = [1, 1280], strides = [1, 1]} : vector<1x2048xf32> to vector<1x1280xf32>
    %min3A_241 = vector.broadcast %slice3A_236 : vector<256x1xf32> to vector<256x1280xf32>
    %min3A_242 = vector.broadcast %slice3A_240 : vector<1x1280xf32> to vector<256x1280xf32>
    %min3A_243 = arith.minimumf %min3A_241, %min3A_242 : vector<256x1280xf32>
    %slice3A_244 = vector.extract_strided_slice %sub3A_37 {offsets = [0, 768], sizes = [1, 1280], strides = [1, 1]} : vector<1x2048xf32> to vector<1x1280xf32>
    %max3A_245 = vector.broadcast %slice3A_235 : vector<256x1xf32> to vector<256x1280xf32>
    %max3A_246 = vector.broadcast %slice3A_244 : vector<1x1280xf32> to vector<256x1280xf32>
    %max3A_247 = arith.maximumf %max3A_245, %max3A_246 : vector<256x1280xf32>
    %sub3A_248 = arith.subf %min3A_243, %max3A_247 : vector<256x1280xf32>
    %max3A_249 = arith.constant 0.000000e+00 : f32
    %max3A_250 = vector.broadcast %max3A_249 : f32 to vector<256x1280xf32>
    %max3A_251 = arith.maximumf %sub3A_248, %max3A_250 : vector<256x1280xf32>
    %slice3A_252 = vector.extract_strided_slice %add3A_55 {offsets = [0, 768], sizes = [1, 1280], strides = [1, 1]} : vector<1x2048xf32> to vector<1x1280xf32>
    %min3A_253 = vector.broadcast %slice3A_238 : vector<256x1xf32> to vector<256x1280xf32>
    %min3A_254 = vector.broadcast %slice3A_252 : vector<1x1280xf32> to vector<256x1280xf32>
    %min3A_255 = arith.minimumf %min3A_253, %min3A_254 : vector<256x1280xf32>
    %slice3A_256 = vector.extract_strided_slice %sub3A_49 {offsets = [0, 768], sizes = [1, 1280], strides = [1, 1]} : vector<1x2048xf32> to vector<1x1280xf32>
    %max3A_257 = vector.broadcast %slice3A_237 : vector<256x1xf32> to vector<256x1280xf32>
    %max3A_258 = vector.broadcast %slice3A_256 : vector<1x1280xf32> to vector<256x1280xf32>
    %max3A_259 = arith.maximumf %max3A_257, %max3A_258 : vector<256x1280xf32>
    %sub3A_260 = arith.subf %min3A_255, %max3A_259 : vector<256x1280xf32>
    %max3A_261 = arith.constant 0.000000e+00 : f32
    %max3A_262 = vector.broadcast %max3A_261 : f32 to vector<256x1280xf32>
    %max3A_263 = arith.maximumf %sub3A_260, %max3A_262 : vector<256x1280xf32>
    %mul3A_264 = arith.mulf %max3A_251, %max3A_263 : vector<256x1280xf32>
    %slice3A_265 = vector.extract_strided_slice %mul3A_58 {offsets = [0, 768], sizes = [1, 1280], strides = [1, 1]} : vector<1x2048xf32> to vector<1x1280xf32>
    %add3A_266 = vector.broadcast %slice3A_239 : vector<256x1xf32> to vector<256x1280xf32>
    %add3A_267 = vector.broadcast %slice3A_265 : vector<1x1280xf32> to vector<256x1280xf32>
    %add3A_268 = arith.addf %add3A_266, %add3A_267 : vector<256x1280xf32>
    %sub3A_269 = arith.subf %add3A_268, %mul3A_264 : vector<256x1280xf32>
    %add3A_270 = arith.constant 9.99999997E-7 : f32
    %add3A_271 = vector.broadcast %add3A_270 : f32 to vector<256x1280xf32>
    %add3A_272 = arith.addf %sub3A_269, %add3A_271 : vector<256x1280xf32>
    %div3A_273 = arith.divf %mul3A_264, %add3A_272 : vector<256x1280xf32>
    %iota3A_274 = tpu.iota {dimensions = array<i32: 0>} : vector<256x1280xi32>
    %add3A_275 = arith.constant 768 : i32
    %add3A_276 = vector.broadcast %add3A_275 : i32 to vector<256x1280xi32>
    %add3A_277 = arith.addi %iota3A_274, %add3A_276 : vector<256x1280xi32>
    %iota3A_278 = tpu.iota {dimensions = array<i32: 1>} : vector<256x1280xi32>
    %add3A_279 = arith.constant 768 : i32
    %add3A_280 = vector.broadcast %add3A_279 : i32 to vector<256x1280xi32>
    %add3A_281 = arith.addi %iota3A_278, %add3A_280 : vector<256x1280xi32>
    %gt3A_282 = arith.constant 0.699999988 : f32
    %gt3A_283 = vector.broadcast %gt3A_282 : f32 to vector<256x1280xf32>
    %gt3A_284 = arith.cmpf ogt, %div3A_273, %gt3A_283 : vector<256x1280xf32>
    %gt3A_285 = arith.cmpi sgt, %add3A_281, %add3A_277 : vector<256x1280xi32>
    %and3A_286 = arith.andi %gt3A_284, %gt3A_285 : vector<256x1280xi1>
    %jit3A_287 = arith.constant 1.000000e+00 : f32
    %jit3A_288 = arith.constant 0.000000e+00 : f32
    %broadcast_in_dim3A_289 = vector.broadcast %jit3A_287 : f32 to vector<256x1280xf32>
    %broadcast_in_dim3A_290 = vector.broadcast %jit3A_288 : f32 to vector<256x1280xf32>
    %select_n3A_291 = arith.select %and3A_286, %broadcast_in_dim3A_289, %broadcast_in_dim3A_290 : vector<256x1280xi1>, vector<256x1280xf32>
    %convert_element_type3A_292 = arith.truncf %select_n3A_291 : vector<256x1280xf32> to vector<256x1280xbf16>
    %swap3A_293 = arith.constant 768 : index
    %swap3A_294 = arith.constant 768 : index
    %swap3A_295 = vector.load %arg5[%swap3A_293, %swap3A_294] : memref<2048x2048xbf16, #tpu.memory_space<vmem>>, vector<256x1280xbf16>
    tpu.vector_store %arg5[%swap3A_293, %swap3A_294], %convert_element_type3A_292 {strides = array<i32>} : memref<2048x2048xbf16, #tpu.memory_space<vmem>>, vector<256x1280xbf16>,
    %slice3A_296 = vector.extract_strided_slice %sub3A {offsets = [1024, 0], sizes = [256, 1], strides = [1, 1]} : vector<2048x1xf32> to vector<256x1xf32>
    %slice3A_297 = vector.extract_strided_slice %add3A {offsets = [1024, 0], sizes = [256, 1], strides = [1, 1]} : vector<2048x1xf32> to vector<256x1xf32>
    %slice3A_298 = vector.extract_strided_slice %sub3A_22 {offsets = [1024, 0], sizes = [256, 1], strides = [1, 1]} : vector<2048x1xf32> to vector<256x1xf32>
    %slice3A_299 = vector.extract_strided_slice %add3A_28 {offsets = [1024, 0], sizes = [256, 1], strides = [1, 1]} : vector<2048x1xf32> to vector<256x1xf32>
    %slice3A_300 = vector.extract_strided_slice %mul3A_31 {offsets = [1024, 0], sizes = [256, 1], strides = [1, 1]} : vector<2048x1xf32> to vector<256x1xf32>
    %slice3A_301 = vector.extract_strided_slice %add3A_43 {offsets = [0, 1024], sizes = [1, 1024], strides = [1, 1]} : vector<1x2048xf32> to vector<1x1024xf32>
    %min3A_302 = vector.broadcast %slice3A_297 : vector<256x1xf32> to vector<256x1024xf32>
    %min3A_303 = vector.broadcast %slice3A_301 : vector<1x1024xf32> to vector<256x1024xf32>
    %min3A_304 = arith.minimumf %min3A_302, %min3A_303 : vector<256x1024xf32>
    %slice3A_305 = vector.extract_strided_slice %sub3A_37 {offsets = [0, 1024], sizes = [1, 1024], strides = [1, 1]} : vector<1x2048xf32> to vector<1x1024xf32>
    %max3A_306 = vector.broadcast %slice3A_296 : vector<256x1xf32> to vector<256x1024xf32>
    %max3A_307 = vector.broadcast %slice3A_305 : vector<1x1024xf32> to vector<256x1024xf32>
    %max3A_308 = arith.maximumf %max3A_306, %max3A_307 : vector<256x1024xf32>
    %sub3A_309 = arith.subf %min3A_304, %max3A_308 : vector<256x1024xf32>
    %max3A_310 = arith.constant 0.000000e+00 : f32
    %max3A_311 = vector.broadcast %max3A_310 : f32 to vector<256x1024xf32>
    %max3A_312 = arith.maximumf %sub3A_309, %max3A_311 : vector<256x1024xf32>
    %slice3A_313 = vector.extract_strided_slice %add3A_55 {offsets = [0, 1024], sizes = [1, 1024], strides = [1, 1]} : vector<1x2048xf32> to vector<1x1024xf32>
    %min3A_314 = vector.broadcast %slice3A_299 : vector<256x1xf32> to vector<256x1024xf32>
    %min3A_315 = vector.broadcast %slice3A_313 : vector<1x1024xf32> to vector<256x1024xf32>
    %min3A_316 = arith.minimumf %min3A_314, %min3A_315 : vector<256x1024xf32>
    %slice3A_317 = vector.extract_strided_slice %sub3A_49 {offsets = [0, 1024], sizes = [1, 1024], strides = [1, 1]} : vector<1x2048xf32> to vector<1x1024xf32>
    %max3A_318 = vector.broadcast %slice3A_298 : vector<256x1xf32> to vector<256x1024xf32>
    %max3A_319 = vector.broadcast %slice3A_317 : vector<1x1024xf32> to vector<256x1024xf32>
    %max3A_320 = arith.maximumf %max3A_318, %max3A_319 : vector<256x1024xf32>
    %sub3A_321 = arith.subf %min3A_316, %max3A_320 : vector<256x1024xf32>
    %max3A_322 = arith.constant 0.000000e+00 : f32
    %max3A_323 = vector.broadcast %max3A_322 : f32 to vector<256x1024xf32>
    %max3A_324 = arith.maximumf %sub3A_321, %max3A_323 : vector<256x1024xf32>
    %mul3A_325 = arith.mulf %max3A_312, %max3A_324 : vector<256x1024xf32>
    %slice3A_326 = vector.extract_strided_slice %mul3A_58 {offsets = [0, 1024], sizes = [1, 1024], strides = [1, 1]} : vector<1x2048xf32> to vector<1x1024xf32>
    %add3A_327 = vector.broadcast %slice3A_300 : vector<256x1xf32> to vector<256x1024xf32>
    %add3A_328 = vector.broadcast %slice3A_326 : vector<1x1024xf32> to vector<256x1024xf32>
    %add3A_329 = arith.addf %add3A_327, %add3A_328 : vector<256x1024xf32>
    %sub3A_330 = arith.subf %add3A_329, %mul3A_325 : vector<256x1024xf32>
    %add3A_331 = arith.constant 9.99999997E-7 : f32
    %add3A_332 = vector.broadcast %add3A_331 : f32 to vector<256x1024xf32>
    %add3A_333 = arith.addf %sub3A_330, %add3A_332 : vector<256x1024xf32>
    %div3A_334 = arith.divf %mul3A_325, %add3A_333 : vector<256x1024xf32>
    %iota3A_335 = tpu.iota {dimensions = array<i32: 0>} : vector<256x1024xi32>
    %add3A_336 = arith.constant 1024 : i32
    %add3A_337 = vector.broadcast %add3A_336 : i32 to vector<256x1024xi32>
    %add3A_338 = arith.addi %iota3A_335, %add3A_337 : vector<256x1024xi32>
    %iota3A_339 = tpu.iota {dimensions = array<i32: 1>} : vector<256x1024xi32>
    %add3A_340 = arith.constant 1024 : i32
    %add3A_341 = vector.broadcast %add3A_340 : i32 to vector<256x1024xi32>
    %add3A_342 = arith.addi %iota3A_339, %add3A_341 : vector<256x1024xi32>
    %gt3A_343 = arith.constant 0.699999988 : f32
    %gt3A_344 = vector.broadcast %gt3A_343 : f32 to vector<256x1024xf32>
    %gt3A_345 = arith.cmpf ogt, %div3A_334, %gt3A_344 : vector<256x1024xf32>
    %gt3A_346 = arith.cmpi sgt, %add3A_342, %add3A_338 : vector<256x1024xi32>
    %and3A_347 = arith.andi %gt3A_345, %gt3A_346 : vector<256x1024xi1>
    %jit3A_348 = arith.constant 1.000000e+00 : f32
    %jit3A_349 = arith.constant 0.000000e+00 : f32
    %broadcast_in_dim3A_350 = vector.broadcast %jit3A_348 : f32 to vector<256x1024xf32>
    %broadcast_in_dim3A_351 = vector.broadcast %jit3A_349 : f32 to vector<256x1024xf32>
    %select_n3A_352 = arith.select %and3A_347, %broadcast_in_dim3A_350, %broadcast_in_dim3A_351 : vector<256x1024xi1>, vector<256x1024xf32>
    %convert_element_type3A_353 = arith.truncf %select_n3A_352 : vector<256x1024xf32> to vector<256x1024xbf16>
    %swap3A_354 = arith.constant 1024 : index
    %swap3A_355 = arith.constant 1024 : index
    %swap3A_356 = vector.load %arg5[%swap3A_354, %swap3A_355] : memref<2048x2048xbf16, #tpu.memory_space<vmem>>, vector<256x1024xbf16>
    tpu.vector_store %arg5[%swap3A_354, %swap3A_355], %convert_element_type3A_353 {strides = array<i32>} : memref<2048x2048xbf16, #tpu.memory_space<vmem>>, vector<256x1024xbf16>,
    %slice3A_357 = vector.extract_strided_slice %sub3A {offsets = [1280, 0], sizes = [256, 1], strides = [1, 1]} : vector<2048x1xf32> to vector<256x1xf32>
    %slice3A_358 = vector.extract_strided_slice %add3A {offsets = [1280, 0], sizes = [256, 1], strides = [1, 1]} : vector<2048x1xf32> to vector<256x1xf32>
    %slice3A_359 = vector.extract_strided_slice %sub3A_22 {offsets = [1280, 0], sizes = [256, 1], strides = [1, 1]} : vector<2048x1xf32> to vector<256x1xf32>
    %slice3A_360 = vector.extract_strided_slice %add3A_28 {offsets = [1280, 0], sizes = [256, 1], strides = [1, 1]} : vector<2048x1xf32> to vector<256x1xf32>
    %slice3A_361 = vector.extract_strided_slice %mul3A_31 {offsets = [1280, 0], sizes = [256, 1], strides = [1, 1]} : vector<2048x1xf32> to vector<256x1xf32>
    %slice3A_362 = vector.extract_strided_slice %add3A_43 {offsets = [0, 1280], sizes = [1, 768], strides = [1, 1]} : vector<1x2048xf32> to vector<1x768xf32>
    %min3A_363 = vector.broadcast %slice3A_358 : vector<256x1xf32> to vector<256x768xf32>
    %min3A_364 = vector.broadcast %slice3A_362 : vector<1x768xf32> to vector<256x768xf32>
    %min3A_365 = arith.minimumf %min3A_363, %min3A_364 : vector<256x768xf32>
    %slice3A_366 = vector.extract_strided_slice %sub3A_37 {offsets = [0, 1280], sizes = [1, 768], strides = [1, 1]} : vector<1x2048xf32> to vector<1x768xf32>
    %max3A_367 = vector.broadcast %slice3A_357 : vector<256x1xf32> to vector<256x768xf32>
    %max3A_368 = vector.broadcast %slice3A_366 : vector<1x768xf32> to vector<256x768xf32>
    %max3A_369 = arith.maximumf %max3A_367, %max3A_368 : vector<256x768xf32>
    %sub3A_370 = arith.subf %min3A_365, %max3A_369 : vector<256x768xf32>
    %max3A_371 = arith.constant 0.000000e+00 : f32
    %max3A_372 = vector.broadcast %max3A_371 : f32 to vector<256x768xf32>
    %max3A_373 = arith.maximumf %sub3A_370, %max3A_372 : vector<256x768xf32>
    %slice3A_374 = vector.extract_strided_slice %add3A_55 {offsets = [0, 1280], sizes = [1, 768], strides = [1, 1]} : vector<1x2048xf32> to vector<1x768xf32>
    %min3A_375 = vector.broadcast %slice3A_360 : vector<256x1xf32> to vector<256x768xf32>
    %min3A_376 = vector.broadcast %slice3A_374 : vector<1x768xf32> to vector<256x768xf32>
    %min3A_377 = arith.minimumf %min3A_375, %min3A_376 : vector<256x768xf32>
    %slice3A_378 = vector.extract_strided_slice %sub3A_49 {offsets = [0, 1280], sizes = [1, 768], strides = [1, 1]} : vector<1x2048xf32> to vector<1x768xf32>
    %max3A_379 = vector.broadcast %slice3A_359 : vector<256x1xf32> to vector<256x768xf32>
    %max3A_380 = vector.broadcast %slice3A_378 : vector<1x768xf32> to vector<256x768xf32>
    %max3A_381 = arith.maximumf %max3A_379, %max3A_380 : vector<256x768xf32>
    %sub3A_382 = arith.subf %min3A_377, %max3A_381 : vector<256x768xf32>
    %max3A_383 = arith.constant 0.000000e+00 : f32
    %max3A_384 = vector.broadcast %max3A_383 : f32 to vector<256x768xf32>
    %max3A_385 = arith.maximumf %sub3A_382, %max3A_384 : vector<256x768xf32>
    %mul3A_386 = arith.mulf %max3A_373, %max3A_385 : vector<256x768xf32>
    %slice3A_387 = vector.extract_strided_slice %mul3A_58 {offsets = [0, 1280], sizes = [1, 768], strides = [1, 1]} : vector<1x2048xf32> to vector<1x768xf32>
    %add3A_388 = vector.broadcast %slice3A_361 : vector<256x1xf32> to vector<256x768xf32>
    %add3A_389 = vector.broadcast %slice3A_387 : vector<1x768xf32> to vector<256x768xf32>
    %add3A_390 = arith.addf %add3A_388, %add3A_389 : vector<256x768xf32>
    %sub3A_391 = arith.subf %add3A_390, %mul3A_386 : vector<256x768xf32>
    %add3A_392 = arith.constant 9.99999997E-7 : f32
    %add3A_393 = vector.broadcast %add3A_392 : f32 to vector<256x768xf32>
    %add3A_394 = arith.addf %sub3A_391, %add3A_393 : vector<256x768xf32>
    %div3A_395 = arith.divf %mul3A_386, %add3A_394 : vector<256x768xf32>
    %iota3A_396 = tpu.iota {dimensions = array<i32: 0>} : vector<256x768xi32>
    %add3A_397 = arith.constant 1280 : i32
    %add3A_398 = vector.broadcast %add3A_397 : i32 to vector<256x768xi32>
    %add3A_399 = arith.addi %iota3A_396, %add3A_398 : vector<256x768xi32>
    %iota3A_400 = tpu.iota {dimensions = array<i32: 1>} : vector<256x768xi32>
    %add3A_401 = arith.constant 1280 : i32
    %add3A_402 = vector.broadcast %add3A_401 : i32 to vector<256x768xi32>
    %add3A_403 = arith.addi %iota3A_400, %add3A_402 : vector<256x768xi32>
    %gt3A_404 = arith.constant 0.699999988 : f32
    %gt3A_405 = vector.broadcast %gt3A_404 : f32 to vector<256x768xf32>
    %gt3A_406 = arith.cmpf ogt, %div3A_395, %gt3A_405 : vector<256x768xf32>
    %gt3A_407 = arith.cmpi sgt, %add3A_403, %add3A_399 : vector<256x768xi32>
    %and3A_408 = arith.andi %gt3A_406, %gt3A_407 : vector<256x768xi1>
    %jit3A_409 = arith.constant 1.000000e+00 : f32
    %jit3A_410 = arith.constant 0.000000e+00 : f32
    %broadcast_in_dim3A_411 = vector.broadcast %jit3A_409 : f32 to vector<256x768xf32>
    %broadcast_in_dim3A_412 = vector.broadcast %jit3A_410 : f32 to vector<256x768xf32>
    %select_n3A_413 = arith.select %and3A_408, %broadcast_in_dim3A_411, %broadcast_in_dim3A_412 : vector<256x768xi1>, vector<256x768xf32>
    %convert_element_type3A_414 = arith.truncf %select_n3A_413 : vector<256x768xf32> to vector<256x768xbf16>
    %swap3A_415 = arith.constant 1280 : index
    %swap3A_416 = arith.constant 1280 : index
    %swap3A_417 = vector.load %arg5[%swap3A_415, %swap3A_416] : memref<2048x2048xbf16, #tpu.memory_space<vmem>>, vector<256x768xbf16>
    tpu.vector_store %arg5[%swap3A_415, %swap3A_416], %convert_element_type3A_414 {strides = array<i32>} : memref<2048x2048xbf16, #tpu.memory_space<vmem>>, vector<256x768xbf16>,
    %slice3A_418 = vector.extract_strided_slice %sub3A {offsets = [1536, 0], sizes = [256, 1], strides = [1, 1]} : vector<2048x1xf32> to vector<256x1xf32>
    %slice3A_419 = vector.extract_strided_slice %add3A {offsets = [1536, 0], sizes = [256, 1], strides = [1, 1]} : vector<2048x1xf32> to vector<256x1xf32>
    %slice3A_420 = vector.extract_strided_slice %sub3A_22 {offsets = [1536, 0], sizes = [256, 1], strides = [1, 1]} : vector<2048x1xf32> to vector<256x1xf32>
    %slice3A_421 = vector.extract_strided_slice %add3A_28 {offsets = [1536, 0], sizes = [256, 1], strides = [1, 1]} : vector<2048x1xf32> to vector<256x1xf32>
    %slice3A_422 = vector.extract_strided_slice %mul3A_31 {offsets = [1536, 0], sizes = [256, 1], strides = [1, 1]} : vector<2048x1xf32> to vector<256x1xf32>
    %slice3A_423 = vector.extract_strided_slice %add3A_43 {offsets = [0, 1536], sizes = [1, 512], strides = [1, 1]} : vector<1x2048xf32> to vector<1x512xf32>
    %min3A_424 = vector.broadcast %slice3A_419 : vector<256x1xf32> to vector<256x512xf32>
    %min3A_425 = vector.broadcast %slice3A_423 : vector<1x512xf32> to vector<256x512xf32>
    %min3A_426 = arith.minimumf %min3A_424, %min3A_425 : vector<256x512xf32>
    %slice3A_427 = vector.extract_strided_slice %sub3A_37 {offsets = [0, 1536], sizes = [1, 512], strides = [1, 1]} : vector<1x2048xf32> to vector<1x512xf32>
    %max3A_428 = vector.broadcast %slice3A_418 : vector<256x1xf32> to vector<256x512xf32>
    %max3A_429 = vector.broadcast %slice3A_427 : vector<1x512xf32> to vector<256x512xf32>
    %max3A_430 = arith.maximumf %max3A_428, %max3A_429 : vector<256x512xf32>
    %sub3A_431 = arith.subf %min3A_426, %max3A_430 : vector<256x512xf32>
    %max3A_432 = arith.constant 0.000000e+00 : f32
    %max3A_433 = vector.broadcast %max3A_432 : f32 to vector<256x512xf32>
    %max3A_434 = arith.maximumf %sub3A_431, %max3A_433 : vector<256x512xf32>
    %slice3A_435 = vector.extract_strided_slice %add3A_55 {offsets = [0, 1536], sizes = [1, 512], strides = [1, 1]} : vector<1x2048xf32> to vector<1x512xf32>
    %min3A_436 = vector.broadcast %slice3A_421 : vector<256x1xf32> to vector<256x512xf32>
    %min3A_437 = vector.broadcast %slice3A_435 : vector<1x512xf32> to vector<256x512xf32>
    %min3A_438 = arith.minimumf %min3A_436, %min3A_437 : vector<256x512xf32>
    %slice3A_439 = vector.extract_strided_slice %sub3A_49 {offsets = [0, 1536], sizes = [1, 512], strides = [1, 1]} : vector<1x2048xf32> to vector<1x512xf32>
    %max3A_440 = vector.broadcast %slice3A_420 : vector<256x1xf32> to vector<256x512xf32>
    %max3A_441 = vector.broadcast %slice3A_439 : vector<1x512xf32> to vector<256x512xf32>
    %max3A_442 = arith.maximumf %max3A_440, %max3A_441 : vector<256x512xf32>
    %sub3A_443 = arith.subf %min3A_438, %max3A_442 : vector<256x512xf32>
    %max3A_444 = arith.constant 0.000000e+00 : f32
    %max3A_445 = vector.broadcast %max3A_444 : f32 to vector<256x512xf32>
    %max3A_446 = arith.maximumf %sub3A_443, %max3A_445 : vector<256x512xf32>
    %mul3A_447 = arith.mulf %max3A_434, %max3A_446 : vector<256x512xf32>
    %slice3A_448 = vector.extract_strided_slice %mul3A_58 {offsets = [0, 1536], sizes = [1, 512], strides = [1, 1]} : vector<1x2048xf32> to vector<1x512xf32>
    %add3A_449 = vector.broadcast %slice3A_422 : vector<256x1xf32> to vector<256x512xf32>
    %add3A_450 = vector.broadcast %slice3A_448 : vector<1x512xf32> to vector<256x512xf32>
    %add3A_451 = arith.addf %add3A_449, %add3A_450 : vector<256x512xf32>
    %sub3A_452 = arith.subf %add3A_451, %mul3A_447 : vector<256x512xf32>
    %add3A_453 = arith.constant 9.99999997E-7 : f32
    %add3A_454 = vector.broadcast %add3A_453 : f32 to vector<256x512xf32>
    %add3A_455 = arith.addf %sub3A_452, %add3A_454 : vector<256x512xf32>
    %div3A_456 = arith.divf %mul3A_447, %add3A_455 : vector<256x512xf32>
    %iota3A_457 = tpu.iota {dimensions = array<i32: 0>} : vector<256x512xi32>
    %add3A_458 = arith.constant 1536 : i32
    %add3A_459 = vector.broadcast %add3A_458 : i32 to vector<256x512xi32>
    %add3A_460 = arith.addi %iota3A_457, %add3A_459 : vector<256x512xi32>
    %iota3A_461 = tpu.iota {dimensions = array<i32: 1>} : vector<256x512xi32>
    %add3A_462 = arith.constant 1536 : i32
    %add3A_463 = vector.broadcast %add3A_462 : i32 to vector<256x512xi32>
    %add3A_464 = arith.addi %iota3A_461, %add3A_463 : vector<256x512xi32>
    %gt3A_465 = arith.constant 0.699999988 : f32
    %gt3A_466 = vector.broadcast %gt3A_465 : f32 to vector<256x512xf32>
    %gt3A_467 = arith.cmpf ogt, %div3A_456, %gt3A_466 : vector<256x512xf32>
    %gt3A_468 = arith.cmpi sgt, %add3A_464, %add3A_460 : vector<256x512xi32>
    %and3A_469 = arith.andi %gt3A_467, %gt3A_468 : vector<256x512xi1>
    %jit3A_470 = arith.constant 1.000000e+00 : f32
    %jit3A_471 = arith.constant 0.000000e+00 : f32
    %broadcast_in_dim3A_472 = vector.broadcast %jit3A_470 : f32 to vector<256x512xf32>
    %broadcast_in_dim3A_473 = vector.broadcast %jit3A_471 : f32 to vector<256x512xf32>
    %select_n3A_474 = arith.select %and3A_469, %broadcast_in_dim3A_472, %broadcast_in_dim3A_473 : vector<256x512xi1>, vector<256x512xf32>
    %convert_element_type3A_475 = arith.truncf %select_n3A_474 : vector<256x512xf32> to vector<256x512xbf16>
    %swap3A_476 = arith.constant 1536 : index
    %swap3A_477 = arith.constant 1536 : index
    %swap3A_478 = vector.load %arg5[%swap3A_476, %swap3A_477] : memref<2048x2048xbf16, #tpu.memory_space<vmem>>, vector<256x512xbf16>
    tpu.vector_store %arg5[%swap3A_476, %swap3A_477], %convert_element_type3A_475 {strides = array<i32>} : memref<2048x2048xbf16, #tpu.memory_space<vmem>>, vector<256x512xbf16>,
    %slice3A_479 = vector.extract_strided_slice %sub3A {offsets = [1792, 0], sizes = [256, 1], strides = [1, 1]} : vector<2048x1xf32> to vector<256x1xf32>
    %slice3A_480 = vector.extract_strided_slice %add3A {offsets = [1792, 0], sizes = [256, 1], strides = [1, 1]} : vector<2048x1xf32> to vector<256x1xf32>
    %slice3A_481 = vector.extract_strided_slice %sub3A_22 {offsets = [1792, 0], sizes = [256, 1], strides = [1, 1]} : vector<2048x1xf32> to vector<256x1xf32>
    %slice3A_482 = vector.extract_strided_slice %add3A_28 {offsets = [1792, 0], sizes = [256, 1], strides = [1, 1]} : vector<2048x1xf32> to vector<256x1xf32>
    %slice3A_483 = vector.extract_strided_slice %mul3A_31 {offsets = [1792, 0], sizes = [256, 1], strides = [1, 1]} : vector<2048x1xf32> to vector<256x1xf32>
    %slice3A_484 = vector.extract_strided_slice %add3A_43 {offsets = [0, 1792], sizes = [1, 256], strides = [1, 1]} : vector<1x2048xf32> to vector<1x256xf32>
    %min3A_485 = vector.broadcast %slice3A_480 : vector<256x1xf32> to vector<256x256xf32>
    %min3A_486 = vector.broadcast %slice3A_484 : vector<1x256xf32> to vector<256x256xf32>
    %min3A_487 = arith.minimumf %min3A_485, %min3A_486 : vector<256x256xf32>
    %slice3A_488 = vector.extract_strided_slice %sub3A_37 {offsets = [0, 1792], sizes = [1, 256], strides = [1, 1]} : vector<1x2048xf32> to vector<1x256xf32>
    %max3A_489 = vector.broadcast %slice3A_479 : vector<256x1xf32> to vector<256x256xf32>
    %max3A_490 = vector.broadcast %slice3A_488 : vector<1x256xf32> to vector<256x256xf32>
    %max3A_491 = arith.maximumf %max3A_489, %max3A_490 : vector<256x256xf32>
    %sub3A_492 = arith.subf %min3A_487, %max3A_491 : vector<256x256xf32>
    %max3A_493 = arith.constant 0.000000e+00 : f32
    %max3A_494 = vector.broadcast %max3A_493 : f32 to vector<256x256xf32>
    %max3A_495 = arith.maximumf %sub3A_492, %max3A_494 : vector<256x256xf32>
    %slice3A_496 = vector.extract_strided_slice %add3A_55 {offsets = [0, 1792], sizes = [1, 256], strides = [1, 1]} : vector<1x2048xf32> to vector<1x256xf32>
    %min3A_497 = vector.broadcast %slice3A_482 : vector<256x1xf32> to vector<256x256xf32>
    %min3A_498 = vector.broadcast %slice3A_496 : vector<1x256xf32> to vector<256x256xf32>
    %min3A_499 = arith.minimumf %min3A_497, %min3A_498 : vector<256x256xf32>
    %slice3A_500 = vector.extract_strided_slice %sub3A_49 {offsets = [0, 1792], sizes = [1, 256], strides = [1, 1]} : vector<1x2048xf32> to vector<1x256xf32>
    %max3A_501 = vector.broadcast %slice3A_481 : vector<256x1xf32> to vector<256x256xf32>
    %max3A_502 = vector.broadcast %slice3A_500 : vector<1x256xf32> to vector<256x256xf32>
    %max3A_503 = arith.maximumf %max3A_501, %max3A_502 : vector<256x256xf32>
    %sub3A_504 = arith.subf %min3A_499, %max3A_503 : vector<256x256xf32>
    %max3A_505 = arith.constant 0.000000e+00 : f32
    %max3A_506 = vector.broadcast %max3A_505 : f32 to vector<256x256xf32>
    %max3A_507 = arith.maximumf %sub3A_504, %max3A_506 : vector<256x256xf32>
    %mul3A_508 = arith.mulf %max3A_495, %max3A_507 : vector<256x256xf32>
    %slice3A_509 = vector.extract_strided_slice %mul3A_58 {offsets = [0, 1792], sizes = [1, 256], strides = [1, 1]} : vector<1x2048xf32> to vector<1x256xf32>
    %add3A_510 = vector.broadcast %slice3A_483 : vector<256x1xf32> to vector<256x256xf32>
    %add3A_511 = vector.broadcast %slice3A_509 : vector<1x256xf32> to vector<256x256xf32>
    %add3A_512 = arith.addf %add3A_510, %add3A_511 : vector<256x256xf32>
    %sub3A_513 = arith.subf %add3A_512, %mul3A_508 : vector<256x256xf32>
    %add3A_514 = arith.constant 9.99999997E-7 : f32
    %add3A_515 = vector.broadcast %add3A_514 : f32 to vector<256x256xf32>
    %add3A_516 = arith.addf %sub3A_513, %add3A_515 : vector<256x256xf32>
    %div3A_517 = arith.divf %mul3A_508, %add3A_516 : vector<256x256xf32>
    %iota3A_518 = tpu.iota {dimensions = array<i32: 0>} : vector<256x256xi32>
    %add3A_519 = arith.constant 1792 : i32
    %add3A_520 = vector.broadcast %add3A_519 : i32 to vector<256x256xi32>
    %add3A_521 = arith.addi %iota3A_518, %add3A_520 : vector<256x256xi32>
    %iota3A_522 = tpu.iota {dimensions = array<i32: 1>} : vector<256x256xi32>
    %add3A_523 = arith.constant 1792 : i32
    %add3A_524 = vector.broadcast %add3A_523 : i32 to vector<256x256xi32>
    %add3A_525 = arith.addi %iota3A_522, %add3A_524 : vector<256x256xi32>
    %gt3A_526 = arith.constant 0.699999988 : f32
    %gt3A_527 = vector.broadcast %gt3A_526 : f32 to vector<256x256xf32>
    %gt3A_528 = arith.cmpf ogt, %div3A_517, %gt3A_527 : vector<256x256xf32>
    %gt3A_529 = arith.cmpi sgt, %add3A_525, %add3A_521 : vector<256x256xi32>
    %and3A_530 = arith.andi %gt3A_528, %gt3A_529 : vector<256x256xi1>
    %jit3A_531 = arith.constant 1.000000e+00 : f32
    %jit3A_532 = arith.constant 0.000000e+00 : f32
    %broadcast_in_dim3A_533 = vector.broadcast %jit3A_531 : f32 to vector<256x256xf32>
    %broadcast_in_dim3A_534 = vector.broadcast %jit3A_532 : f32 to vector<256x256xf32>
    %select_n3A_535 = arith.select %and3A_530, %broadcast_in_dim3A_533, %broadcast_in_dim3A_534 : vector<256x256xi1>, vector<256x256xf32>
    %convert_element_type3A_536 = arith.truncf %select_n3A_535 : vector<256x256xf32> to vector<256x256xbf16>
    %swap3A_537 = arith.constant 1792 : index
    %swap3A_538 = arith.constant 1792 : index
    %swap3A_539 = vector.load %arg5[%swap3A_537, %swap3A_538] : memref<2048x2048xbf16, #tpu.memory_space<vmem>>, vector<256x256xbf16>
    tpu.vector_store %arg5[%swap3A_537, %swap3A_538], %convert_element_type3A_536 {strides = array<i32>} : memref<2048x2048xbf16, #tpu.memory_space<vmem>>, vector<256x256xbf16>,
    %get3A_540 = arith.constant 0 : index
    %get3A_541 = arith.constant 0 : index
    %get3A_542 = vector.load %arg5[%get3A_540, %get3A_541] : memref<2048x2048xbf16, #tpu.memory_space<vmem>>, vector<2048x2048xbf16>
    %convert_element_type3A_543 = arith.extui %gt3A_61 : vector<1x2048xi1> to vector<1x2048xi32>
    %convert_element_type3A_544 = arith.sitofp %convert_element_type3A_543 : vector<1x2048xi32> to vector<1x2048xf32>
    %broadcast_in_dim3A_545 = arith.constant 0.000000e+00 : f32
    %broadcast_in_dim3A_546 = vector.broadcast %broadcast_in_dim3A_545 : f32 to vector<1x2048xf32>
    %reduce_sum3A = vector.shape_cast %convert_element_type3A_544 : vector<1x2048xf32> to vector<1x1x2048xf32>
    %reduce_sum3A_547 = arith.constant dense<0.000000e+00> : vector<1xf32>
    %reduce_sum3A_548 = vector.multi_reduction <add>, %reduce_sum3A, %reduce_sum3A_547 [1, 2] : vector<1x1x2048xf32> to vector<1xf32>
    %reduce_sum3A_549 = vector.shape_cast %reduce_sum3A_548 : vector<1xf32> to vector<1x1x1xf32>
    %reduce_sum3A_550 = vector.extract %reduce_sum3A_549[0, 0, 0] : f32 from vector<1x1x1xf32>
    %while3A:3 = scf.while (%while3A_658 = %broadcast_in_dim3A_546, %while3A_659 = %broadcast_in_dim3A_546, %while3A_660 = %reduce_sum3A_550) : (vector<1x2048xf32>, vector<1x2048xf32>, f32) -> (vector<1x2048xf32>, vector<1x2048xf32>, f32) {
      %gt3A_661 = arith.constant 0.000000e+00 : f32
      %gt3A_662 = arith.cmpf ogt, %while3A_660, %gt3A_661 : f32
      scf.condition(%gt3A_662) %while3A_658, %while3A_659, %while3A_660 : vector<1x2048xf32>, vector<1x2048xf32>, f32
    } do {
    ^bb0(%while3A_658: vector<1x2048xf32>, %while3A_659: vector<1x2048xf32>, %while3A_660: f32):
      %sub3A_661 = arith.constant 1.000000e+00 : f32
      %sub3A_662 = vector.broadcast %sub3A_661 : f32 to vector<1x2048xf32>
      %sub3A_663 = arith.subf %sub3A_662, %while3A_659 : vector<1x2048xf32>
      %mul3A_664 = arith.mulf %convert_element_type3A_544, %sub3A_663 : vector<1x2048xf32>
      %convert_element_type3A_665 = arith.truncf %mul3A_664 : vector<1x2048xf32> to vector<1x2048xbf16>
      %dot_general3A_666 = arith.constant dense<0.000000e+00> : vector<1x2048xf32>
      %dot_general3A_667 = tpu.matmul %convert_element_type3A_665, %get3A_542, %dot_general3A_666 {dimension_numbers = #tpu.dot_dimension_numbers<[1], [0], [0], [1], [0, 0, 1, 1], [], []>, transpose_lhs_hint = false} : vector<1x2048xbf16>, vector<2048x2048xbf16>, vector<1x2048xf32> -> vector<1x2048xf32>
      %lt3A_668 = arith.constant 5.000000e-01 : f32
      %lt3A_669 = vector.broadcast %lt3A_668 : f32 to vector<1x2048xf32>
      %lt3A_670 = arith.cmpf olt, %dot_general3A_667, %lt3A_669 : vector<1x2048xf32>
      %jit3A_671 = arith.constant 0.000000e+00 : f32
      %broadcast_in_dim3A_672 = vector.broadcast %jit3A_671 : f32 to vector<1x2048xf32>
      %select_n3A_673 = arith.select %lt3A_670, %convert_element_type3A_544, %broadcast_in_dim3A_672 : vector<1x2048xi1>, vector<1x2048xf32>
      %convert_element_type3A_674 = arith.truncf %select_n3A_673 : vector<1x2048xf32> to vector<1x2048xbf16>
      %dot_general3A_675 = arith.constant dense<0.000000e+00> : vector<1x2048xf32>
      %dot_general3A_676 = tpu.matmul %convert_element_type3A_674, %get3A_542, %dot_general3A_675 {dimension_numbers = #tpu.dot_dimension_numbers<[1], [0], [0], [1], [0, 0, 1, 1], [], []>, transpose_lhs_hint = false} : vector<1x2048xbf16>, vector<2048x2048xbf16>, vector<1x2048xf32> -> vector<1x2048xf32>
      %gt3A_677 = arith.constant 5.000000e-01 : f32
      %gt3A_678 = vector.broadcast %gt3A_677 : f32 to vector<1x2048xf32>
      %gt3A_679 = arith.cmpf ogt, %dot_general3A_676, %gt3A_678 : vector<1x2048xf32>
      %jit3A_680 = arith.constant 1.000000e+00 : f32
      %jit3A_681 = arith.constant 0.000000e+00 : f32
      %broadcast_in_dim3A_682 = vector.broadcast %jit3A_680 : f32 to vector<1x2048xf32>
      %broadcast_in_dim3A_683 = vector.broadcast %jit3A_681 : f32 to vector<1x2048xf32>
      %select_n3A_684 = arith.select %gt3A_679, %broadcast_in_dim3A_682, %broadcast_in_dim3A_683 : vector<1x2048xi1>, vector<1x2048xf32>
      %sub3A_685 = arith.constant 1.000000e+00 : f32
      %sub3A_686 = vector.broadcast %sub3A_685 : f32 to vector<1x2048xf32>
      %sub3A_687 = arith.subf %sub3A_686, %select_n3A_673 : vector<1x2048xf32>
      %mul3A_688 = arith.mulf %convert_element_type3A_544, %sub3A_687 : vector<1x2048xf32>
      %sub3A_689 = arith.constant 1.000000e+00 : f32
      %sub3A_690 = vector.broadcast %sub3A_689 : f32 to vector<1x2048xf32>
      %sub3A_691 = arith.subf %sub3A_690, %select_n3A_684 : vector<1x2048xf32>
      %mul3A_692 = arith.mulf %mul3A_688, %sub3A_691 : vector<1x2048xf32>
      %reduce_sum3A_693 = vector.shape_cast %mul3A_692 : vector<1x2048xf32> to vector<1x1x2048xf32>
      %reduce_sum3A_694 = arith.constant dense<0.000000e+00> : vector<1xf32>
      %reduce_sum3A_695 = vector.multi_reduction <add>, %reduce_sum3A_693, %reduce_sum3A_694 [1, 2] : vector<1x1x2048xf32> to vector<1xf32>
      %reduce_sum3A_696 = vector.shape_cast %reduce_sum3A_695 : vector<1xf32> to vector<1x1x1xf32>
      %reduce_sum3A_697 = vector.extract %reduce_sum3A_696[0, 0, 0] : f32 from vector<1x1x1xf32>
      scf.yield %select_n3A_673, %select_n3A_684, %reduce_sum3A_697 : vector<1x2048xf32>, vector<1x2048xf32>, f32
    }
    %broadcast_in_dim3A_551 = arith.constant 0.000000e+00 : f32
    %broadcast_in_dim3A_552 = vector.broadcast %broadcast_in_dim3A_551 : f32 to vector<1x1xf32>
    %slice3A_553 = vector.extract_strided_slice %while3A#0 {offsets = [0, 0], sizes = [1, 2047], strides = [1, 1]} : vector<1x2048xf32> to vector<1x2047xf32>
    %concatenate3A = tpu.concatenate %broadcast_in_dim3A_552, %slice3A_553 in 1 : vector<1x1xf32>, vector<1x2047xf32> -> vector<1x2048xf32>
    %add3A_554 = arith.addf %while3A#0, %concatenate3A : vector<1x2048xf32>
    %broadcast_in_dim3A_555 = arith.constant 0.000000e+00 : f32
    %broadcast_in_dim3A_556 = vector.broadcast %broadcast_in_dim3A_555 : f32 to vector<1x2xf32>
    %slice3A_557 = vector.extract_strided_slice %add3A_554 {offsets = [0, 0], sizes = [1, 2046], strides = [1, 1]} : vector<1x2048xf32> to vector<1x2046xf32>
    %concatenate3A_558 = tpu.concatenate %broadcast_in_dim3A_556, %slice3A_557 in 1 : vector<1x2xf32>, vector<1x2046xf32> -> vector<1x2048xf32>
    %add3A_559 = arith.addf %add3A_554, %concatenate3A_558 : vector<1x2048xf32>
    %broadcast_in_dim3A_560 = arith.constant 0.000000e+00 : f32
    %broadcast_in_dim3A_561 = vector.broadcast %broadcast_in_dim3A_560 : f32 to vector<1x4xf32>
    %slice3A_562 = vector.extract_strided_slice %add3A_559 {offsets = [0, 0], sizes = [1, 2044], strides = [1, 1]} : vector<1x2048xf32> to vector<1x2044xf32>
    %concatenate3A_563 = tpu.concatenate %broadcast_in_dim3A_561, %slice3A_562 in 1 : vector<1x4xf32>, vector<1x2044xf32> -> vector<1x2048xf32>
    %add3A_564 = arith.addf %add3A_559, %concatenate3A_563 : vector<1x2048xf32>
    %broadcast_in_dim3A_565 = arith.constant 0.000000e+00 : f32
    %broadcast_in_dim3A_566 = vector.broadcast %broadcast_in_dim3A_565 : f32 to vector<1x8xf32>
    %slice3A_567 = vector.extract_strided_slice %add3A_564 {offsets = [0, 0], sizes = [1, 2040], strides = [1, 1]} : vector<1x2048xf32> to vector<1x2040xf32>
    %concatenate3A_568 = tpu.concatenate %broadcast_in_dim3A_566, %slice3A_567 in 1 : vector<1x8xf32>, vector<1x2040xf32> -> vector<1x2048xf32>
    %add3A_569 = arith.addf %add3A_564, %concatenate3A_568 : vector<1x2048xf32>
    %broadcast_in_dim3A_570 = arith.constant 0.000000e+00 : f32
    %broadcast_in_dim3A_571 = vector.broadcast %broadcast_in_dim3A_570 : f32 to vector<1x16xf32>
    %slice3A_572 = vector.extract_strided_slice %add3A_569 {offsets = [0, 0], sizes = [1, 2032], strides = [1, 1]} : vector<1x2048xf32> to vector<1x2032xf32>
    %concatenate3A_573 = tpu.concatenate %broadcast_in_dim3A_571, %slice3A_572 in 1 : vector<1x16xf32>, vector<1x2032xf32> -> vector<1x2048xf32>
    %add3A_574 = arith.addf %add3A_569, %concatenate3A_573 : vector<1x2048xf32>
    %broadcast_in_dim3A_575 = arith.constant 0.000000e+00 : f32
    %broadcast_in_dim3A_576 = vector.broadcast %broadcast_in_dim3A_575 : f32 to vector<1x32xf32>
    %slice3A_577 = vector.extract_strided_slice %add3A_574 {offsets = [0, 0], sizes = [1, 2016], strides = [1, 1]} : vector<1x2048xf32> to vector<1x2016xf32>
    %concatenate3A_578 = tpu.concatenate %broadcast_in_dim3A_576, %slice3A_577 in 1 : vector<1x32xf32>, vector<1x2016xf32> -> vector<1x2048xf32>
    %add3A_579 = arith.addf %add3A_574, %concatenate3A_578 : vector<1x2048xf32>
    %broadcast_in_dim3A_580 = arith.constant 0.000000e+00 : f32
    %broadcast_in_dim3A_581 = vector.broadcast %broadcast_in_dim3A_580 : f32 to vector<1x64xf32>
    %slice3A_582 = vector.extract_strided_slice %add3A_579 {offsets = [0, 0], sizes = [1, 1984], strides = [1, 1]} : vector<1x2048xf32> to vector<1x1984xf32>
    %concatenate3A_583 = tpu.concatenate %broadcast_in_dim3A_581, %slice3A_582 in 1 : vector<1x64xf32>, vector<1x1984xf32> -> vector<1x2048xf32>
    %add3A_584 = arith.addf %add3A_579, %concatenate3A_583 : vector<1x2048xf32>
    %broadcast_in_dim3A_585 = arith.constant 0.000000e+00 : f32
    %broadcast_in_dim3A_586 = vector.broadcast %broadcast_in_dim3A_585 : f32 to vector<1x128xf32>
    %slice3A_587 = vector.extract_strided_slice %add3A_584 {offsets = [0, 0], sizes = [1, 1920], strides = [1, 1]} : vector<1x2048xf32> to vector<1x1920xf32>
    %concatenate3A_588 = tpu.concatenate %broadcast_in_dim3A_586, %slice3A_587 in 1 : vector<1x128xf32>, vector<1x1920xf32> -> vector<1x2048xf32>
    %add3A_589 = arith.addf %add3A_584, %concatenate3A_588 : vector<1x2048xf32>
    %broadcast_in_dim3A_590 = arith.constant 0.000000e+00 : f32
    %broadcast_in_dim3A_591 = vector.broadcast %broadcast_in_dim3A_590 : f32 to vector<1x256xf32>
    %slice3A_592 = vector.extract_strided_slice %add3A_589 {offsets = [0, 0], sizes = [1, 1792], strides = [1, 1]} : vector<1x2048xf32> to vector<1x1792xf32>
    %concatenate3A_593 = tpu.concatenate %broadcast_in_dim3A_591, %slice3A_592 in 1 : vector<1x256xf32>, vector<1x1792xf32> -> vector<1x2048xf32>
    %add3A_594 = arith.addf %add3A_589, %concatenate3A_593 : vector<1x2048xf32>
    %broadcast_in_dim3A_595 = arith.constant 0.000000e+00 : f32
    %broadcast_in_dim3A_596 = vector.broadcast %broadcast_in_dim3A_595 : f32 to vector<1x512xf32>
    %slice3A_597 = vector.extract_strided_slice %add3A_594 {offsets = [0, 0], sizes = [1, 1536], strides = [1, 1]} : vector<1x2048xf32> to vector<1x1536xf32>
    %concatenate3A_598 = tpu.concatenate %broadcast_in_dim3A_596, %slice3A_597 in 1 : vector<1x512xf32>, vector<1x1536xf32> -> vector<1x2048xf32>
    %add3A_599 = arith.addf %add3A_594, %concatenate3A_598 : vector<1x2048xf32>
    %broadcast_in_dim3A_600 = arith.constant 0.000000e+00 : f32
    %broadcast_in_dim3A_601 = vector.broadcast %broadcast_in_dim3A_600 : f32 to vector<1x1024xf32>
    %slice3A_602 = vector.extract_strided_slice %add3A_599 {offsets = [0, 0], sizes = [1, 1024], strides = [1, 1]} : vector<1x2048xf32> to vector<1x1024xf32>
    %concatenate3A_603 = tpu.concatenate %broadcast_in_dim3A_601, %slice3A_602 in 1 : vector<1x1024xf32>, vector<1x1024xf32> -> vector<1x2048xf32>
    %add3A_604 = arith.addf %add3A_599, %concatenate3A_603 : vector<1x2048xf32>
    %sub3A_605 = arith.constant 1.000000e+00 : f32
    %sub3A_606 = vector.broadcast %sub3A_605 : f32 to vector<1x2048xf32>
    %sub3A_607 = arith.subf %add3A_604, %sub3A_606 : vector<1x2048xf32>
    %iota3A_608 = tpu.iota {dimensions = array<i32: 0>} : vector<512x1xi32>
    %convert_element_type3A_609 = arith.fptosi %sub3A_607 : vector<1x2048xf32> to vector<1x2048xi32>
    %eq3A = vector.broadcast %iota3A_608 : vector<512x1xi32> to vector<512x2048xi32>
    %eq3A_610 = vector.broadcast %convert_element_type3A_609 : vector<1x2048xi32> to vector<512x2048xi32>
    %eq3A_611 = arith.cmpi eq, %eq3A, %eq3A_610 : vector<512x2048xi32>
    %gt3A_612 = arith.constant 5.000000e-01 : f32
    %gt3A_613 = vector.broadcast %gt3A_612 : f32 to vector<1x2048xf32>
    %gt3A_614 = arith.cmpf ogt, %while3A#0, %gt3A_613 : vector<1x2048xf32>
    %and3A_615 = vector.broadcast %gt3A_614 : vector<1x2048xi1> to vector<512x2048xi1>
    %and3A_616 = arith.andi %eq3A_611, %and3A_615 : vector<512x2048xi1>
    %jit3A_617 = arith.constant 1.000000e+00 : f32
    %jit3A_618 = arith.constant 0.000000e+00 : f32
    %broadcast_in_dim3A_619 = vector.broadcast %jit3A_617 : f32 to vector<512x2048xf32>
    %broadcast_in_dim3A_620 = vector.broadcast %jit3A_618 : f32 to vector<512x2048xf32>
    %select_n3A_621 = arith.select %and3A_616, %broadcast_in_dim3A_619, %broadcast_in_dim3A_620 : vector<512x2048xi1>, vector<512x2048xf32>
    %slice3A_622 = vector.extract_strided_slice %get3A_3 {offsets = [0, 8], sizes = [2048, 10], strides = [1, 1]} : vector<2048x18xf32> to vector<2048x10xf32>
    %dot_general3A = arith.constant dense<0.000000e+00> : vector<512x10xf32>
    %dot_general3A_623 = tpu.matmul %select_n3A_621, %slice3A_622, %dot_general3A {dimension_numbers = #tpu.dot_dimension_numbers<[1], [0], [0], [1], [0, 0, 1, 1], [], []>, precision = #tpu.contract_precision<fp32>, transpose_lhs_hint = false} : vector<512x2048xf32>, vector<2048x10xf32>, vector<512x10xf32> -> vector<512x10xf32>
    %broadcast_in_dim3A_624 = arith.constant 0.000000e+00 : f32
    %broadcast_in_dim3A_625 = vector.broadcast %broadcast_in_dim3A_624 : f32 to vector<512x6xf32>
    %concatenate3A_626 = tpu.concatenate %dot_general3A_623, %broadcast_in_dim3A_625 in 1 : vector<512x10xf32>, vector<512x6xf32> -> vector<512x16xf32>
    %swap3A_627 = arith.constant 0 : index
    %swap3A_628 = arith.constant 0 : index
    %swap3A_629 = arith.constant 0 : index
    %swap3A_630 = vector.load %arg3[%swap3A_627, %swap3A_628, %swap3A_629] : memref<1x512x16xf32, #tpu.memory_space<vmem>>, vector<1x512x16xf32>
    %swap3A_631 = vector.shape_cast %swap3A_630 : vector<1x512x16xf32> to vector<512x16xf32>
    %swap3A_632 = vector.shape_cast %concatenate3A_626 : vector<512x16xf32> to vector<1x512x16xf32>
    tpu.vector_store %arg3[%swap3A_627, %swap3A_628, %swap3A_629], %swap3A_632 {strides = array<i32>} : memref<1x512x16xf32, #tpu.memory_space<vmem>>, vector<1x512x16xf32>,
    %reduce_sum3A_633 = vector.shape_cast %while3A#0 : vector<1x2048xf32> to vector<1x1x2048xf32>
    %reduce_sum3A_634 = arith.constant dense<0.000000e+00> : vector<1xf32>
    %reduce_sum3A_635 = vector.multi_reduction <add>, %reduce_sum3A_633, %reduce_sum3A_634 [1, 2] : vector<1x1x2048xf32> to vector<1xf32>
    %reduce_sum3A_636 = vector.shape_cast %reduce_sum3A_635 : vector<1xf32> to vector<1x1x1xf32>
    %reduce_sum3A_637 = vector.extract %reduce_sum3A_636[0, 0, 0] : f32 from vector<1x1x1xf32>
    %convert_element_type3A_638 = arith.fptosi %reduce_sum3A_637 : f32 to i32
    %lt3A = vector.broadcast %convert_element_type3A_638 : i32 to vector<512x1xi32>
    %lt3A_639 = arith.cmpi slt, %iota3A_608, %lt3A : vector<512x1xi32>
    %jit3A_640 = arith.constant 1.000000e+00 : f32
    %jit3A_641 = arith.constant 0.000000e+00 : f32
    %broadcast_in_dim3A_642 = vector.broadcast %jit3A_640 : f32 to vector<512x1xf32>
    %broadcast_in_dim3A_643 = vector.broadcast %jit3A_641 : f32 to vector<512x1xf32>
    %select_n3A_644 = arith.select %lt3A_639, %broadcast_in_dim3A_642, %broadcast_in_dim3A_643 : vector<512x1xi1>, vector<512x1xf32>
    %slice3A_645 = vector.extract_strided_slice %dot_general3A_623 {offsets = [0, 7], sizes = [512, 3], strides = [1, 1]} : vector<512x10xf32> to vector<512x3xf32>
    %reduce_max3A = arith.constant dense<0xFF800000> : vector<512xf32>
    %reduce_max3A_646 = vector.multi_reduction <maximumf>, %slice3A_645, %reduce_max3A [1] : vector<512x3xf32> to vector<512xf32>
    %broadcast_in_dim3A_647 = vector.shape_cast %reduce_max3A_646 : vector<512xf32> to vector<512x1xf32>
    %mul3A_648 = arith.mulf %broadcast_in_dim3A_647, %select_n3A_644 : vector<512x1xf32>
    %broadcast_in_dim3A_649 = arith.constant 0.000000e+00 : f32
    %broadcast_in_dim3A_650 = vector.broadcast %broadcast_in_dim3A_649 : f32 to vector<512x6xf32>
    %concatenate3A_651 = tpu.concatenate %select_n3A_644, %mul3A_648, %broadcast_in_dim3A_650 in 1 : vector<512x1xf32>, vector<512x1xf32>, vector<512x6xf32> -> vector<512x8xf32>
    %swap3A_652 = arith.constant 0 : index
    %swap3A_653 = arith.constant 0 : index
    %swap3A_654 = arith.constant 0 : index
    %swap3A_655 = vector.load %arg4[%swap3A_652, %swap3A_653, %swap3A_654] : memref<1x512x8xf32, #tpu.memory_space<vmem>>, vector<1x512x8xf32>
    %swap3A_656 = vector.shape_cast %swap3A_655 : vector<1x512x8xf32> to vector<512x8xf32>
    %swap3A_657 = vector.shape_cast %concatenate3A_651 : vector<512x8xf32> to vector<1x512x8xf32>
    tpu.vector_store %arg4[%swap3A_652, %swap3A_653, %swap3A_654], %swap3A_657 {strides = array<i32>} : memref<1x512x8xf32, #tpu.memory_space<vmem>>, vector<1x512x8xf32>,
    return
  }
  func.func @transform_0(%arg0: i32) -> (i32, i32, i32) {
    %c0_i32 = arith.constant 0 : i32
    %c0_i32_0 = arith.constant 0 : i32
    %c0_i32_1 = arith.constant 0 : i32
    return %arg0, %c0_i32, %c0_i32_0 : i32, i32, i32
  }
  func.func @transform_1(%arg0: i32) -> (i32, i32, i32) {
    %c0_i32 = arith.constant 0 : i32
    %c0_i32_0 = arith.constant 0 : i32
    %c0_i32_1 = arith.constant 0 : i32
    return %arg0, %c0_i32, %c0_i32_0 : i32, i32, i32
  }
  func.func @transform_2(%arg0: i32) -> (i32, i32, i32) {
    %c0_i32 = arith.constant 0 : i32
    %c0_i32_0 = arith.constant 0 : i32
    %c0_i32_1 = arith.constant 0 : i32
    return %arg0, %c0_i32, %c0_i32_0 : i32, i32, i32
  }
  func.func @transform_3(%arg0: i32) -> (i32, i32, i32) {
    %c0_i32 = arith.constant 0 : i32
    %c0_i32_0 = arith.constant 0 : i32
    %c0_i32_1 = arith.constant 0 : i32
    return %arg0, %c0_i32, %c0_i32_0 : i32, i32, i32
  }
}

</mosaic_0001>

<sc_bundles>
// kernel: gather_offload_async_start
scs
__scs_entry_jumppad:
0x0: {  	(pc) =	sbr.rel $0x88, $3  }
0x1: {  	(tag) =	ssettag $0x0;
	lr =	simm.s32 $0x1  }
0x2: {  	[smem:$0x3F9D] =	sst lr;
	_ =	strace $0xD0000000  }
0x3: {  	_ = 	snop  }
0x4: {  	_ = 	snop  }
0x5: {  	_ = 	snop  }
0x6: {  	_ = 	snop  }
0x7: {  	_ = 	snop  }
__scs_overlays_trampoline_lowered:
0x8: {  	[smem:$0x3FAC] =	sst s0  }
0x9: {  	[smem:$0x3FAD] =	sst s1  }
0xa: {  	[smem:$0x3FAE] =	sst s2  }
0xb: {  	[smem:$0x3FAF] =	sst s3  }
0xc: {  	[smem:$0x3FB0] =	sst s4  }
0xd: {  	[smem:$0x3FB1] =	sst s5  }
0xe: {  	[smem:$0x3FB2] =	sst s6  }
0xf: {  	[smem:$0x3FB3] =	sst s7  }
0x10: {  	[smem:$0x3FB4] =	sst s8  }
0x11: {  	[smem:$0x3FB5] =	sst s9;
	s0 =	simm.s32 @!p0 $0x0  }
0x12: {  	s1 =	sld [smem:$0x3F9B];
	s0 =	simm.s32 @p0 $0x1  }
0x13: {  	[smem:$0x3FB6] =	sst s0;
	s0 =	simm.s32 @!p1 $0x0  }
0x14: {  	s2 =	sld [smem:$0x3F9A];
	s0 =	simm.s32 @p1 $0x1  }
0x15: {  	[smem:$0x3FB7] =	sst s0;
	s0 =	simm.s32 @!p2 $0x0  }
0x16: {  	s3 =	sld [smem:$0x3FDB];
	s0 =	simm.s32 @p2 $0x1  }
0x17: {  	s4 =	simm.s32 $0x1BF5;
	[smem:$0x3FB9] =	sst s0  }
0x18: {  	s0 =	sld [smem:$0x3F9C];
	_ =	swait.ge [sflag:s4], $0x0  }
0x19: {  	s7 =	sld [smem:$0x3F9D]  }
0x1a: {  	s8 =	sadd.s32 $0xFFFFE003, lr  }
0x1b: {  	s9 =	sadd.s32 $0xFFFFFEF7, lr;
	s5 =	simm.s32 $0xFFFFFFFF;
	p2 =	slt.u32 s8, $0xFFFFF086  }
0x1c: {  	p1 =	slt.u32 s9, $0xF7A;
	s5 =	simm.s32 @!p2 $0x0  }
0x1d: {  	s5 =	simm.s32 @p1 $0x1;
	p0 =	seq.s32 s7, s2  }
0x1e: {  	s7 =	smul.u32 @!p0 $0xF7A, s2;
	p2 =	seq.s32 @!p0 s5, $0x0  }
0x1f: {  	s9 =	smul.u32 $0xF7A, s1;
	s8 =	simm.s32 @!p0 $0x1BF5;
	p2 =	por !p2, p0  }
0x20: {  	[sflag:s8] =	ssyncset.s32 @!p0 $0xFFFFF086;
	s6 =	sadd.s32 @!p0 s3, s7;
	s7 =	simm.s32 @!p0 $0x108  }
0x21: {  	s3 =	sadd.s32 s3, s9;
	s6 =	sadd.s32 @!p0 $0x88, s6;
	s7 =	simm.s32 @p2 $0x1082  }
0x22: {  	[simem:s7], [sflag:s8] =	dma.local @!p0 [hbm:s6], $0xF7A  }
0x23: {  	s9 =	sor.u32 $0xD0000000, s2;
	s6 =	simm.s32 $0x108;
	_ =	swait.ge @!p0 [sflag:s8], $0x0  }
0x24: {  	s3 =	sadd.s32 $0x88, s3;
	s6 =	simm.s32 @!p1 $0x1082;
	[sflag:s4] =	ssyncset.s32 $0xFFFFF086  }
0x25: {  	[simem:s6], [sflag:s4] =	dma.local [hbm:s3], $0xF7A  }
0x26: {  	[smem:$0x3F9D] =	sst s1;
	(tag) =	ssettag s2;
	_ =	strace s9  }
0x27: {  	s1 =	sld [smem:$0x3FAD]  }
0x28: {  	s2 =	sld [smem:$0x3FAE]  }
0x29: {  	s4 =	sld [smem:$0x3FB0]  }
0x2a: {  	p0 =	seq.s32 s5, $0x0;
	s5 =	sld [smem:$0x3FB1]  }
0x2b: {  	s6 =	sld [smem:$0x3FB2]  }
0x2c: {  	s7 =	sld [smem:$0x3FB3]  }
0x2d: {  	s3 =	simm.s32 $0x108;
	s8 =	sld [smem:$0x3FB4]  }
0x2e: {  	s3 =	simm.s32 @!p0 $0x1082;
	s9 =	sld [smem:$0x3FB5]  }
0x2f: {  	lr =	sadd.s32 s0, s3;
	s0 =	sld [smem:$0x3FAC]  }
0x30: {  	s3 =	sld [smem:$0x3FAF]  }
0x31: {  	[smem:$0x3FB8] =	sst s10  }
0x32: {  	s10 =	sld [smem:$0x3FB6];
	_ =	sdelay $0x3  }
0x33: {  	p0 =	seq.s32 s10, $0x1;
	s10 =	sld [smem:$0x3FB8];
	_ =	sdelay $0x3  }
0x34: {  	[smem:$0x3FB8] =	sst s10  }
0x35: {  	s10 =	sld [smem:$0x3FB7];
	_ =	sdelay $0x3  }
0x36: {  	p1 =	seq.s32 s10, $0x1;
	s10 =	sld [smem:$0x3FB8];
	_ =	sdelay $0x3  }
0x37: {  	[smem:$0x3FB8] =	sst s10  }
0x38: {  	s10 =	sld [smem:$0x3FB9]  }
0x39: {  	_ = 	snop;
	(pc) =	sbr.ind lr, $3  }
0x3a: {  	_ = 	snop  }
0x3b: {  	_ = 	snop  }
0x3c: {  	p2 =	seq.s32 s10, $0x1;
	s10 =	sld [smem:$0x3FB8]  }
0x3d: {  	_ =	shalt  }
0x3e: {  	_ =	shalt  }
0x3f: {  	_ =	shalt  }
0x40: {  	_ =	shalt  }
0x41: {  	_ =	shalt  }
0x42: {  	_ =	shalt  }
0x43: {  	_ =	shalt  }
0x44: {  	_ =	shalt  }
0x45: {  	_ =	shalt  }
0x46: {  	_ =	shalt  }
0x47: {  	_ =	shalt  }
0x48: {  	_ =	shalt  }
0x49: {  	_ =	shalt  }
0x4a: {  	_ =	shalt  }
0x4b: {  	_ =	shalt  }
0x4c: {  	_ =	shalt  }
0x4d: {  	_ =	shalt  }
0x4e: {  	_ =	shalt  }
0x4f: {  	_ =	shalt  }
0x50: {  	_ =	shalt  }
0x51: {  	_ =	shalt  }
0x52: {  	_ =	shalt  }
0x53: {  	_ =	shalt  }
0x54: {  	_ =	shalt  }
0x55: {  	_ =	shalt  }
0x56: {  	_ =	shalt  }
0x57: {  	_ =	shalt  }
0x58: {  	_ =	shalt  }
0x59: {  	_ =	shalt  }
0x5a: {  	_ =	shalt  }
0x5b: {  	_ =	shalt  }
0x5c: {  	_ =	shalt  }
0x5d: {  	_ =	shalt  }
0x5e: {  	_ =	shalt  }
0x5f: {  	_ =	shalt  }
0x60: {  	_ =	shalt  }
0x61: {  	_ =	shalt  }
0x62: {  	_ =	shalt  }
0x63: {  	_ =	shalt  }
0x64: {  	_ =	shalt  }
0x65: {  	_ =	shalt  }
0x66: {  	_ =	shalt  }
0x67: {  	_ =	shalt  }
0x68: {  	_ =	shalt  }
0x69: {  	_ =	shalt  }
0x6a: {  	_ =	shalt  }
0x6b: {  	_ =	shalt  }
0x6c: {  	_ =	shalt  }
0x6d: {  	_ =	shalt  }
0x6e: {  	_ =	shalt  }
0x6f: {  	_ =	shalt  }
0x70: {  	_ =	shalt  }
0x71: {  	_ =	shalt  }
0x72: {  	_ =	shalt  }
0x73: {  	_ =	shalt  }
0x74: {  	_ =	shalt  }
0x75: {  	_ =	shalt  }
0x76: {  	_ =	shalt  }
0x77: {  	_ =	shalt  }
0x78: {  	_ =	shalt  }
0x79: {  	_ =	shalt  }
0x7a: {  	_ =	shalt  }
0x7b: {  	_ =	shalt  }
0x7c: {  	_ =	shalt  }
0x7d: {  	_ =	shalt  }
0x7e: {  	_ =	shalt  }
0x7f: {  	_ =	shalt  }
0x80: {  	_ =	shalt  }
0x81: {  	_ =	shalt  }
0x82: {  	_ =	shalt  }
0x83: {  	_ =	shalt  }
0x84: {  	_ =	shalt  }
0x85: {  	_ =	shalt  }
0x86: {  	_ =	shalt  }
0x87: {  	_ =	shalt  }
.Lfunc_end0:
.L_simem_size_0:
called_computation_lowered:
.L_overlay_start_0:
0x88: {  	s2 =	sld [smem:$0x3FD9]  }
0x89: {  	s3 =	sld [smem:$0x3FFE];
	_ =	sdelay $0x1  }
0x8a: {  	s1 =	srdreg.scid  }
0x8b: {  	s0 =	sand.u32 $0x1, s1  }
0x8c: {  	s14 =	sshll.u32 s0, $0xA;
	s2 =	sadd.s32 s3, s2  }
0x8d: {  	s2 =	sadd.s32 s2, s14  }
0x8e: {  	[smem:$0x3FC4] =	sst s2  }
0x8f: {  	_ = 	snop  }
0x90: {  	s2 =	sld [smem:$0x3FD0];
	_ =	sdelay $0x2  }
0x91: {  	s15 =	simm.s32 $0xA;
	s4 =	simm.s32 $0x10  }
0x92: {  	[smem:s4], [sflag:s15] =	dma.local [hbm:s2], $0x1  }
0x93: {  	_ =	swait.eq [sflag:s15], $0x1  }
0x94: {  	[sflag:s15] =	ssyncset.done $0x0  }
0x95: {  	[sflag:s15] =	ssyncadd.s32 $0xFFFFFFFF  }
0x96: {  	s16 =	sld [smem:$0x10];
	(tm) =	ssettm $0x1  }
0x97: {  	s17 =	sld [smem:$0x3FFB];
	_ =	sdelay $0x3  }
0x98: {  	_ =	strace s17  }
0x99: {  	s3 =	sld [smem:$0x3FFC];
	_ =	sdelay $0x3  }
0x9a: {  	_ =	strace s3  }
0x9b: {  	s3 =	sld [smem:$0x3FFD];
	_ =	sdelay $0x3  }
0x9c: {  	_ =	strace s3  }
0x9d: {  	_ =	strace $0x8FFFFFFF  }
0x9e: {  	s18 =	sld [smem:$0x3FDB];
	_ =	sdelay $0x1  }
0x9f: {  	s19 =	simm.s32 $_scs_section_size  }
0xa0: {  	s5 =	simm.s32 $_size__tile_overlayer_lowered;
	s6 =	simm.s32 $_tile_overlayer_lowered  }
0xa1: {  	s22 =	simm.s32 $0x1BFF;
	s21 =	sshll.u32 s6, $0x1;
	s3 =	sadd.s32 s19, s18  }
0xa2: {  	s7 =	simm.s32 $0x0;
	s20 =	sshll.u32 s5, $0x1;
	s5 =	sadd.s32 s21, s3  }
0xa3: {  	[timem:s7], [sflag:s22] =	dma.local [hbm:s5], s20  }
0xa4: {  	_ =	swait.ge [sflag:s22], s20  }
0xa5: {  	s4 =	ssub.s32 $0x0, s20;
	[sflag:s22] =	ssyncset.done $0x0  }
0xa6: {  	[sflag:s22] =	ssyncadd.s32 s4;
	_ =	sdelay $0x1  }
0xa7: {  	s23 =	simm.s32 $0x1B8B  }
0xa8: {  	_ =	swait.ge [sflag:s23], $0x1  }
0xa9: {  	[sflag:s23] =	ssyncset.done $0x0  }
0xaa: {  	s25 =	simm.s32 $0x1B8E;
	s24 =	sld [smem:$0x3FFE];
	[sflag:s23] =	ssyncadd.s32 $0xFFFFFFFF  }
0xab: {  	s26 =	simm.s32 $execute0_lowered;
	[smem:$0x3FD2] =	sst s25  }
0xac: {  	s5 =	sshll.u32 s26, $0x1;
	_ =	strace $0x80000046;
	[dreg:$0x1] =	wrdreg $0xFFFFFFFF  }
0xad: {  	s28 =	simm.s32 $_size_execute0_lowered;
	s3 =	sadd.s32 s3, s5;
	[dreg:$0x0] =	wrdreg $0x0  }
0xae: {  	s5 =	sshll.u32 s28, $0x1;
	[dreg:$0x2] =	wrdreg s3  }
0xaf: {  	[dreg:$0x3] =	wrdreg s5  }
0xb0: {  	[dreg:$0x4] =	wrdreg $0xC0  }
0xb1: {  	_ =	task [dreg:s7], $0x5FFFF  }
0xb2: {  	[dreg:$0x1] =	wrdreg $0xFFFFFFFF  }
0xb3: {  	[dreg:$0x0] =	wrdreg $0x60  }
0xb4: {  	[dreg:$0x2] =	wrdreg s24  }
0xb5: {  	[dreg:$0x3] =	wrdreg s16  }
0xb6: {  	[dreg:$0x4] =	wrdreg $0x9  }
0xb7: {  	_ =	task.clear_ibuf [dreg:s7], $0x5FFFF;
	_ =	strace $0x90000046  }
0xb8: {  	s29 =	simm.s32 $0x9;
	_ =	strace $0x80000048  }
0xb9: {  	_ =	swait.ge [sflag:s29], $0x1  }
0xba: {  	[sflag:s29] =	ssyncadd.s32 $0xFFFFFFFF  }
0xbb: {  	_ =	strace $0x90000048  }
0xbc: {  	_ =	sfence  }
0xbd: {  	s30 =	sld [smem:$0x0];
	_ =	sdelay $0x2  }
0xbe: {  	s31 =	sshll.u32 s1, $0xD;
	s1 =	sshrl.u32 s1, $0x2  }
0xbf: {  	s3 =	sand.u32 $0x4000, s31;
	s1 =	sadd.s32 s1, s30  }
0xc0: {  	s0 =	sor.u32 s3, s0;
	s1 =	sshll.u32 s1, $0x11  }
0xc1: {  	s0 =	sor.u32 s1, s0  }
0xc2: {  	s0 =	sadd.s32 $0x8F2B, s0  }
0xc3: {  	[sflag:s0] =	ssyncadd.remote.s32 $0x1  }
0xc4: {  	_ =	sfence.sel $0xFFFF  }
0xc5: {  	[dreg:$0x0] =	wrdreg $0xFFFFFFFF;
	(pc) =	sbr.abs _section_cstart, $3  }
0xc6: {  	[dreg:$0x1] =	wrdreg $0xFFFFFFFF  }
0xc7: {  	_ =	task.clear_ibuf [dreg:s7], $0x2FFFF;
	_ =	strace $0x9FFFFFFF  }
0xc8: {  	(tm) =	ssettm $0x7FFFFFFF  }
0xc9: {  	_ =	shalt  }
tec
execute0_lowered:
.L_overlay_start_1:
0x0: {  	(tag) =	ssettag $0x1  }
0x1: {  	s2 =	rddreg [dreg:$0x0]  }
0x2: {  	s3 =	rddreg [dreg:$0x1]  }
0x3: {  	s0 =	rddreg [dreg:$0x2];
	s1 =	srdreg.scid;
	_ =	strace $0x80000047  }
0x4: {  	s4 =	simm.s32 $0x1;
	s9 =	simm.s32 $0x3;
	s5 =	sshll.u32 s1, $0x4  }
.Ltmp0:
0x5: {  	s1 =	stileid.u32;
	s5 =	sand.u32 $0x10, s5;
	(pc) =	sbr.rel .LBB2_1-.Ltmp0, $4  }
0x6: {  	s12 =	simm.s32 $0x0;
	s10 =	simm.s32 $0x0;
	s6 =	sor.u32 s1, s5  }
0x7: {  	[sflag:s4] =	ssyncpa.u1 $0x0;
	s5 =	simm.s32 $0x2;
	s6 =	sshll.u32 s6, $0x8  }
0x8: {  	s7 =	sadd.s32 $0x138800, s2;
	[sflag:s5] =	ssyncpa.u1 $0x0;
	s8 =	sadd.s32 $0x100, s6  }
0x9: {  	vm0 =	vmmov $0xff;
	vm1 =	vcmask $0x3F20;
	[sflag:s9] =	ssyncpa.u1 $0x0;
	s9 =	simm.s32 $0x100;
	s11 =	smov.u32 s6  }
.LBB2_9:
0xa: {  	p0 =	seq.s32 s10, $0x2  }
.Ltmp1:
0xb: {  	_ = 	snop;
	(pc) =	sbr.rel @p0 .LBB2_11-.Ltmp1, $1  }
0xc: {  	_ =	sdelay $0x3  }
.LBB2_10:
0xd: {  	s12 =	sadd.s32 $0x100, s11  }
0xe: {  	s13 =	smov.u32 s6;
	p0 =	slt.s32 s12, s8  }
0xf: {  	s13 =	smov.u32 @p0 s12  }
0x10: {  	s10 =	sadd.s32 $0x1, s10;
	s12 =	smov.u32 s11;
	s11 =	smov.u32 s13  }
.LBB2_1:
0x11: {  	p0 =	sne.s32 s10, $0x0  }
.Ltmp2:
0x12: {  	_ = 	snop;
	(pc) =	sbr.rel @!p0 .LBB2_2-.Ltmp2, $1  }
0x13: {  	_ =	sdelay $0x3  }
0x14: {  	s13 =	sand.u32 $0x1, s10  }
0x15: {  	p0 =	seq.s32 s13, $0x0  }
.Ltmp3:
0x16: {  	_ = 	snop;
	(pc) =	sbr.rel @p0 .LBB2_9-.Ltmp3, $1  }
0x17: {  	_ =	sdelay $0x3  }
0x18: {  	_ =	swait.ge [sflag:s5], $0x100  }
0x19: {  	[sflag:s5] =	ssyncset.done $0x0  }
0x1a: {  	s13 =	simm.s32 $0x0;
	[sflag:s5] =	ssyncadd.s32 $0xFFFFFF00  }
0x1b: {  	v0 =	vld.msk [tilespmem:s13+$0x100 ss:$0x1], $0xffff;
	_ =	sdelay $0x4  }
0x1c: {  	v1 =	vand.u32 $0x3, v0;
	v2 =	vshll.u32 v0, $0x5  }
0x1d: {  	vm2 =	veq.s32 v0, $0x80000000;
	v0 =	vmul.u32 $0x271000, v1;
	v1 =	vand.u32 $0x3FFF80, v2  }
0x1e: {  	v1 =	vsel vm2, $0xFFFFFF80, v1  }
0x1f: {  	v0 =	vsel vm2, $0xFFD8F000, v0;
	v2 =	vand.u32 $0xFFFFFC00, v1  }
0x20: {  	v1 =	vand.u32 $0x380, v1;
	v0 =	vadd.s32 v0, v2  }
0x21: {  	v0 =	vor.u32 v1, v0  }
0x22: {  	v0 =	vshrl.u32 v0, $0x3;
	_ =	sdelay $0x3  }
0x23: {  	s13 =	simm.s32 $0x8200  }
0x24: {  	[tilespmem:s13], [sflag:$0x1] =	stream.indirect_vreg.gather [hbm:s2], $0x80, v0, vm0, $0x38;
	[tilespmem:$0x10200] =	vst v63  }
0x25: {  	s14 =	simm.s32 $0x8600;
	s31 =	simm.s32 $0x10  }
0x26: {  	[tilespmem:s14], [sflag:$0x1] =	stream.indirect_vreg.gather [hbm:s2], $0x80, v0, vm1, $0x38;
	[tilespmem:$0x10200] =	vst v63  }
0x27: {  	s14 =	simm.s32 $0x80;
	v0 =	vld.msk [tilespmem:s31+$0x100 ss:$0x1], $0xffff  }
.LBB2_5:
0x28: {  	p0 =	sne.s32 s14, $0x3C0;
	_ =	sdelay $0x4  }
0x29: {  	v1 =	vand.u32 $0x3, v0;
	v2 =	vshll.u32 v0, $0x5  }
0x2a: {  	vm2 =	veq.s32 v0, $0x80000000;
	v0 =	vmul.u32 $0x271000, v1;
	v1 =	vand.u32 $0x3FFF80, v2  }
0x2b: {  	v1 =	vsel vm2, $0xFFFFFF80, v1  }
0x2c: {  	v0 =	vsel vm2, $0xFFD8F000, v0;
	v2 =	vand.u32 $0xFFFFFC00, v1  }
0x2d: {  	v1 =	vand.u32 $0x380, v1;
	v0 =	vadd.s32 v0, v2  }
0x2e: {  	v0 =	vor.u32 v1, v0  }
0x2f: {  	v0 =	vshrl.u32 v0, $0x3;
	_ =	sdelay $0x3  }
.Ltmp4:
0x30: {  	s13 =	sadd.s32 $0x800, s13;
	(pc) =	sbr.rel @p0 .LBB2_5-.Ltmp4, $4  }
0x31: {  	[tilespmem:s13], [sflag:$0x1] =	stream.indirect_vreg.gather [hbm:s2], $0x80, v0, vm0, $0x38;
	[tilespmem:$0x10200] =	vst v63  }
0x32: {  	s15 =	sshra.s32 s14, $0x2;
	s16 =	sadd.s32 $0x400, s13  }
0x33: {  	[tilespmem:s16], [sflag:$0x1] =	stream.indirect_vreg.gather [hbm:s2], $0x80, v0, vm1, $0x38;
	[tilespmem:$0x10200] =	vst v63  }
0x34: {  	s14 =	sadd.s32 $0x40, s14;
	v0 =	vld.msk [tilespmem:s15+$0x100 ss:$0x1], $0xffff  }
0x35: {  	_ =	sdelay $0x3  }
0x36: {  	v1 =	vand.u32 $0x3, v0;
	v2 =	vshll.u32 v0, $0x5  }
0x37: {  	vm2 =	veq.s32 v0, $0x80000000;
	v61 =	vmul.u32 $0x271000, v1;
	v62 =	vand.u32 $0x3FFF80, v2  }
0x38: {  	v1 =	vsel vm2, $0xFFFFFF80, v62  }
0x39: {  	v0 =	vsel vm2, $0xFFD8F000, v61;
	v63 =	vand.u32 $0xFFFFFC00, v1  }
0x3a: {  	v1 =	vand.u32 $0x380, v1;
	v0 =	vadd.s32 v0, v63  }
0x3b: {  	v0 =	vor.u32 v1, v0  }
0x3c: {  	v0 =	vshrl.u32 v0, $0x3;
	_ =	sdelay $0x3  }
0x3d: {  	s13 =	sadd.s32 $0x800, s13  }
0x3e: {  	[tilespmem:s13], [sflag:$0x1] =	stream.indirect_vreg.gather [hbm:s2], $0x80, v0, vm0, $0x38;
	[tilespmem:$0x10200] =	vst v63  }
0x3f: {  	s13 =	sadd.s32 $0x400, s13  }
0x40: {  	[tilespmem:s13], [sflag:$0x1] =	stream.indirect_vreg.gather [hbm:s2], $0x80, v0, vm1, $0x38;
	[tilespmem:$0x10200] =	vst v63  }
0x41: {  	s12 =	sshll.u32 s12, $0x4;
	s14 =	simm.s32 $0x80;
	_ =	swait.ge [sflag:s4], $0x8000  }
0x42: {  	s15 =	simm.s32 $0x8600;
	s12 =	sadd.s32 s12, s7;
	[sflag:s4] =	ssyncset.done $0x0  }
0x43: {  	s16 =	sadd.s32 $0x0, s12;
	s13 =	simm.s32 $0x8200;
	[sflag:s4] =	ssyncadd.s32 $0xFFFF8000  }
.LBB2_7:
0x44: {  	[hbm:s16] =	stream.linear.scatter [tilespmem:s13], [sflag:$0x3], $0x400, $0x38;
	[tilespmem:$0x10200] =	vst v63  }
0x45: {  	s16 =	smov.u32 s14;
	s13 =	smov.u32 s15;
	p0 =	sne.s32 s14, $0xF80  }
.Ltmp5:
0x46: {  	s14 =	sadd.s32 $0x80, s14;
	(pc) =	sbr.rel @p0 .LBB2_7-.Ltmp5, $2  }
0x47: {  	_ =	sdelay $0x2  }
0x48: {  	s15 =	sadd.s32 $0x400, s15;
	s16 =	sadd.s32 s16, s12  }
.Ltmp6:
0x49: {  	(pc) =	sbr.rel .LBB2_9-.Ltmp6, $2  }
0x4a: {  	_ =	sdelay $0x2  }
0x4b: {  	[hbm:s16] =	stream.linear.scatter [tilespmem:s13], [sflag:$0x3], $0x400, $0x38;
	[tilespmem:$0x10200] =	vst v63  }
.LBB2_2:
.Ltmp7:
0x4c: {  	(pc) =	sbr.rel .LBB2_10-.Ltmp7, $4  }
0x4d: {  	_ = 	snop  }
0x4e: {  	s12 =	sshrl.u32 s11, $0x3  }
0x4f: {  	s13 =	sand.u32 $0x7, s11;
	s12 =	sadd.s32 s3, s12  }
0x50: {  	[tilespmem:s9], [sflag:$0x2] =	stream.linear.gather [hbm4b:s12+s13], $0x100, $0x38;
	[tilespmem:$0x10200] =	vst v63  }
.LBB2_11:
0x51: {  	s2 =	simm.s32 $0x3  }
0x52: {  	_ =	swait.ge [sflag:s2], $0x8000  }
0x53: {  	[sflag:s2] =	ssyncset.done $0x0  }
0x54: {  	[sflag:s2] =	ssyncadd.s32 $0xFFFF8000  }
0x55: {  	_ =	sfence.sel $0x180000  }
0x56: {  	s3 =	simm.s32 $0x2;
	[bflag:$0x0] =	sbarrier.arrive $0xFFFF  }
0x57: {  	[sflag:s3] =	ssyncpa.u1 $0x1  }
0x58: {  	s31 =	simm.s32 $0x1;
	[sflag:s2] =	ssyncpa.u1 $0x1  }
0x59: {  	[sflag:s31] =	ssyncpa.u1 $0x1  }
0x5a: {  	p0 =	sne.s32 s1, $0x0;
	_ =	strace $0x90000047  }
0x5b: {  	s0 =	sadd.s32 @!p0 $0x100000, s0;
	[bflag:$0x2] =	sbarrier.arrive $0xFFFF  }
0x5c: {  	[sflag:s0] =	ssyncadd.tile.s32 @!p0 $0x1;
	_ =	shalt  }
.Lfunc_end2:
_tile_overlayer_lowered:
.L_overlay_start_2:
0x5d: {  	(tag) =	ssettag $0x2  }
0x5e: {  	s0 =	rddreg [dreg:$0x0];
	s2 =	stileid.u32  }
0x5f: {  	s1 =	rddreg [dreg:$0x1];
	p0 =	sne.s32 s2, $0x0  }
0x60: {  	s3 =	rddreg [dreg:$0x2];
	[bflag:$0x3] =	sbarrier.arrive $0xFFFF;
	s2 =	simm.s32 @!p0 $0x1C01  }
0x61: {  	[timem:s3], [sflag:s2] =	dma.local @!p0 [hbm:s0], s1  }
0x62: {  	s0 =	simm.s32 @!p0 $0x1  }
0x63: {  	_ =	swait.ge @!p0 [sflag:s0], s1  }
0x64: {  	s1 =	ssub.s32 @!p0 $0x0, s1;
	[sflag:s0] =	ssyncset.done @!p0 $0x0  }
0x65: {  	[sflag:s0] =	ssyncadd.s32 @!p0 s1  }
0x66: {  	[bflag:$0x3] =	sbarrier.arrive $0xFFFF  }
0x67: {  	_ =	shalt  }

</sc_bundles>
